<compile_context>
chip_gen: v7x
topology: tpu7x:2x2x1
jax: 0.10.2.dev20260603
libtpu: 0.0.44.dev20260713+nightly
codegen_flags: <defaults>
</compile_context>

<pallas_src>
import functools
import math

import jax
import jax.numpy as jnp
from jax import lax
from jax.experimental import pallas as pl
from jax.experimental.pallas import tpu as pltpu
from jax.experimental.pallas import tpu_sc as plsc

N = 10000
E = 320000
D_IN = 128
D_E = 16
H = 128
HEADS = 4
C = 32
OUT = 64
INV_SQRT_C = 1.0 / math.sqrt(C)

BR = 1000
GRID = N // BR
EDGES_PER_TILE = E // 32
CHUNK = 80
NCHUNK = EDGES_PER_TILE // CHUNK
ROWS_MAIN = 624
TAIL_R0 = 16 * ROWS_MAIN
TAIL_ROWS = N - TAIL_R0
ZROWS = 48



def _full(shape):
    return pl.BlockSpec(shape, lambda i: tuple(0 for _ in shape))


def _rows(cols):
    return pl.BlockSpec((BR, cols), lambda i: (i, 0))


def _matmul_bias_body(x_ref, w_ref, b_ref, o_ref):
    o_ref[...] = jnp.dot(x_ref[...], w_ref[...],
                         preferred_element_type=jnp.float32) + b_ref[0]


def _in_proj(x, w, b):
    return pl.pallas_call(
        _matmul_bias_body,
        grid=(GRID,),
        in_specs=[_rows(D_IN), _full((D_IN, H)), _full((1, H))],
        out_specs=_rows(H),
        out_shape=jax.ShapeDtypeStruct((N, H), jnp.float32),
    )(x, w, b.reshape(1, H))


def _stage_a_body(hm1_ref, h0_ref, hp1_ref, w0_ref, w1_ref, w2_ref, cb_ref,
                  qw_ref, qb_ref, kw_ref, kb_ref, vw_ref, vb_ref,
                  sw_ref, sb_ref, ewt_ref,
                  q_ref, qe_ref, k_ref, v_ref, hc_ref, skip_ref):
    f32 = jnp.float32
    hc = jnp.dot(hm1_ref[...], w0_ref[...], preferred_element_type=f32)
    hc += jnp.dot(h0_ref[...], w1_ref[...], preferred_element_type=f32)
    hc += jnp.dot(hp1_ref[...], w2_ref[...], preferred_element_type=f32)
    hc = jnp.maximum(hc + cb_ref[0], 0.0)
    q = jnp.dot(hc, qw_ref[...], preferred_element_type=f32) + qb_ref[0]
    k = jnp.dot(hc, kw_ref[...], preferred_element_type=f32) + kb_ref[0]
    v = jnp.dot(hc, vw_ref[...], preferred_element_type=f32) + vb_ref[0]
    skip = jnp.dot(hc, sw_ref[...], preferred_element_type=f32) + sb_ref[0]
    qes = []
    for hh in range(HEADS):
        qes.append(jnp.dot(q[:, hh * C:(hh + 1) * C], ewt_ref[hh],
                           preferred_element_type=f32))
    hc_ref[...] = hc
    q_ref[...] = q
    k_ref[...] = k
    v_ref[...] = v
    skip_ref[...] = skip
    qe_ref[...] = jnp.concatenate(qes, axis=1)


def _stage_a(hm1, h0, hp1, p):
    w0 = p["conv_w"][:, :, 0].T
    w1 = p["conv_w"][:, :, 1].T
    w2 = p["conv_w"][:, :, 2].T
    ewt = jnp.transpose(p["e_w"].reshape(D_E, HEADS, C), (1, 2, 0))
    outs = pl.pallas_call(
        _stage_a_body,
        grid=(GRID,),
        in_specs=[_rows(H), _rows(H), _rows(H),
                  _full((H, H)), _full((H, H)), _full((H, H)), _full((1, H)),
                  _full((H, H)), _full((1, H)), _full((H, H)), _full((1, H)),
                  _full((H, H)), _full((1, H)), _full((H, H)), _full((1, H)),
                  _full((HEADS, C, D_E))],
        out_specs=[_rows(H), _rows(HEADS * D_E), _rows(H), _rows(H),
                   _rows(H), _rows(H)],
        out_shape=[jax.ShapeDtypeStruct((N, H), jnp.float32),
                   jax.ShapeDtypeStruct((N, HEADS * D_E), jnp.float32),
                   jax.ShapeDtypeStruct((N, H), jnp.float32),
                   jax.ShapeDtypeStruct((N, H), jnp.float32),
                   jax.ShapeDtypeStruct((N, H), jnp.float32),
                   jax.ShapeDtypeStruct((N, H), jnp.float32)],
    )(hm1, h0, hp1, w0, w1, w2, p["conv_b"].reshape(1, H),
      p["q_w"], p["q_b"].reshape(1, H), p["k_w"], p["k_b"].reshape(1, H),
      p["v_w"], p["v_b"].reshape(1, H), p["skip_w"], p["skip_b"].reshape(1, H),
      ewt)
    return outs


def _stage_b_body(a_ref, hc_ref, skip_ref, ew_ref, g_ref, b_ref, o_ref):
    f32 = jnp.float32
    acc = [a_ref[0, 0] + a_ref[0, 1], a_ref[1, 0] + a_ref[1, 1]]
    parts = []
    for g in range(HEADS):
        A = acc[g // 2]
        l = g % 2
        den1 = A[:, l:l + 1]
        accv = A[:, 16 + l * C:16 + (l + 1) * C]
        accb = A[:, 80 + l * D_E:80 + (l + 1) * D_E]
        corr = jnp.dot(accb, ew_ref[g], preferred_element_type=f32)
        num = accv + corr
        den = jnp.broadcast_to(den1, num.shape) + 1e-16
        parts.append(num / den)
    h2 = jnp.concatenate(parts, axis=1) + skip_ref[...] + hc_ref[...]
    mu = jnp.mean(h2, axis=-1, keepdims=True)
    var = jnp.mean((h2 - mu) ** 2, axis=-1, keepdims=True)
    hn = (h2 - mu) * lax.rsqrt(var + 1e-5) * g_ref[0] + b_ref[0]
    o_ref[...] = hn * 0.5 * (1.0 + lax.erf(hn * (1.0 / math.sqrt(2.0))))


def _stage_b(outa, hc, skip, p):
    ew = jnp.transpose(p["e_w"].reshape(D_E, HEADS, C), (1, 0, 2))
    return pl.pallas_call(
        _stage_b_body,
        grid=(GRID,),
        in_specs=[pl.BlockSpec((2, 2, BR, H), lambda i: (0, 0, i, 0)),
                  _rows(H), _rows(H), _full((HEADS, D_E, C)),
                  _full((1, H)), _full((1, H))],
        out_specs=_rows(H),
        out_shape=jax.ShapeDtypeStruct((N, H), jnp.float32),
    )(outa, hc, skip, ew,
      p["ln_g"].reshape(1, H), p["ln_b"].reshape(1, H))


def _out_proj_body(h_ref, w_ref, b_ref, o_ref):
    logits = jnp.dot(h_ref[...], w_ref[...],
                     preferred_element_type=jnp.float32) + b_ref[0]
    m = jnp.max(logits, axis=1, keepdims=True)
    s = jnp.sum(jnp.exp(logits - m), axis=1, keepdims=True)
    o_ref[...] = logits - m - jnp.log(s)


def _out_proj(h, w, b):
    return pl.pallas_call(
        _out_proj_body,
        grid=(GRID,),
        in_specs=[_rows(H), _full((H, OUT)), _full((1, OUT))],
        out_specs=_rows(OUT),
        out_shape=jax.ShapeDtypeStruct((N, OUT), jnp.float32),
    )(h, w, b.reshape(1, OUT))




def _sc_body(src_hbm, dst_hbm, ea_hbm, t01d_hbm, t01s_hbm, t23d_hbm,
             t23s_hbm, outa_hbm,
             sidx, didx, eav, kvv, qev, pay, zbuf,
             acca, sem1, sem2):
    cid = lax.axis_index("c")
    sid = lax.axis_index("s")
    r0 = sid * ROWS_MAIN
    base = (cid * 16 + sid) * EDGES_PER_TILE
    lane = lax.broadcasted_iota(jnp.int32, (16,), 0)
    ohs = [jnp.where(lane == hh, 1.0, 0.0).astype(jnp.float32)
           for hh in range(2)]
    perms = [lane ^ s for s in (8, 4, 2, 1)]
    zeros16 = jnp.zeros((16,), jnp.float32)
    gdn = lax.GatherDimensionNumbers(offset_dims=(), collapsed_slice_dims=(0,),
                                     start_index_map=(0,))

    def _lane_sum(u):
        for pp in perms:
            u = u + lax.gather(u, pp[:, None], gdn, slice_sizes=(1,),
                               mode=lax.GatherScatterMode.PROMISE_IN_BOUNDS)
        return u

    def zrow_body(j, carry):
        for m in range(8):
            zbuf[j, pl.ds(m * 16, 16)] = zeros16
        return carry

    lax.fori_loop(0, ZROWS, zrow_body, 0)

    for pair, (tdst_hbm, tsrc_hbm) in enumerate(
            ((t01d_hbm, t01s_hbm), (t23d_hbm, t23s_hbm))):
        def zinit_body(i, carry):
            pltpu.sync_copy(zbuf, acca.at[pl.ds(r0 + i * ZROWS, ZROWS)])
            return carry

        lax.fori_loop(0, ROWS_MAIN // ZROWS, zinit_body, 0)

        @pl.when(sid == 15)
        def _zero_tail():
            pltpu.sync_copy(zbuf.at[pl.ds(0, TAIL_ROWS)],
                            acca.at[pl.ds(TAIL_R0, TAIL_ROWS)])

        def pad_body(j, carry):
            pay[j, pl.ds(112, 16)] = zeros16
            return carry

        lax.fori_loop(0, CHUNK, pad_body, 0)
        plsc.subcore_barrier()

        def chunk_body(i, carry):
            off = base + i * CHUNK
            pltpu.sync_copy(src_hbm.at[pl.ds(off, CHUNK)], sidx)
            pltpu.sync_copy(dst_hbm.at[pl.ds(off, CHUNK)], didx)
            pltpu.sync_copy(ea_hbm.at[pl.ds(off * D_E, CHUNK * D_E)], eav)
            cp1 = pltpu.async_copy(tsrc_hbm.at[sidx], kvv, sem1)
            cp2 = pltpu.async_copy(tdst_hbm.at[didx], qev, sem2)
            cp1.wait()
            cp2.wait()

            def edge_body(j, carry2):
                ea_vec = eav[pl.ds(j * D_E, 16)]
                exbs = []
                for hh in range(2):
                    u = (qev[j, pl.ds(2 * hh * 16, 16)]
                         * kvv[j, pl.ds(2 * hh * 16, 16)])
                    u = u + (qev[j, pl.ds((2 * hh + 1) * 16, 16)]
                             * kvv[j, pl.ds((2 * hh + 1) * 16, 16)])
                    u = u + qev[j, pl.ds(64 + hh * 16, 16)] * ea_vec
                    exbs.append(jnp.exp(_lane_sum(u) * INV_SQRT_C))
                pay[j, pl.ds(0, 16)] = exbs[0] * ohs[0] + exbs[1] * ohs[1]
                for m in range(4):
                    pay[j, pl.ds(16 + m * 16, 16)] = (
                        exbs[m // 2] * kvv[j, pl.ds(64 + m * 16, 16)])
                for hh in range(2):
                    pay[j, pl.ds(80 + hh * 16, 16)] = exbs[hh] * ea_vec
                return carry2

            lax.fori_loop(0, CHUNK, edge_body, 0)
            pltpu.sync_copy(pay, acca.at[didx], add=True)
            return carry

        lax.fori_loop(0, NCHUNK, chunk_body, 0)
        plsc.subcore_barrier()

        def wb_body(i, carry):
            pltpu.sync_copy(acca.at[pl.ds(r0 + i * ZROWS, ZROWS)],
                            pay.at[pl.ds(0, ZROWS)])
            pltpu.sync_copy(pay.at[pl.ds(0, ZROWS)],
                            outa_hbm.at[pair, cid,
                                        pl.ds(r0 + i * ZROWS, ZROWS)])
            return carry

        lax.fori_loop(0, ROWS_MAIN // ZROWS, wb_body, 0)

        @pl.when(sid == 15)
        def _write_tail():
            pltpu.sync_copy(acca.at[pl.ds(TAIL_R0, TAIL_ROWS)],
                            pay.at[pl.ds(0, TAIL_ROWS)])
            pltpu.sync_copy(pay.at[pl.ds(0, TAIL_ROWS)],
                            outa_hbm.at[pair, cid,
                                        pl.ds(TAIL_R0, TAIL_ROWS)])

        plsc.subcore_barrier()


@jax.jit
def _edge_pass(src, dst, ea_flat, t01d, t01s, t23d, t23s):
    f32 = jnp.float32
    mesh = plsc.VectorSubcoreMesh(core_axis_name="c", subcore_axis_name="s")
    kern = functools.partial(
        pl.kernel,
        out_type=jax.ShapeDtypeStruct((2, 2, N, H), f32),
        mesh=mesh,
        scratch_types=[
            pltpu.VMEM((CHUNK,), jnp.int32),
            pltpu.VMEM((CHUNK,), jnp.int32),
            pltpu.VMEM((CHUNK * D_E,), f32),
            pltpu.VMEM((CHUNK, H), f32),
            pltpu.VMEM((CHUNK, H), f32),
            pltpu.VMEM((CHUNK, H), f32),
            pltpu.VMEM((ZROWS, H), f32),
            pltpu.VMEM_SHARED((N, H), f32),
            pltpu.SemaphoreType.DMA,
            pltpu.SemaphoreType.DMA,
        ],
    )(_sc_body)
    return kern(src, dst, ea_flat, t01d, t01s, t23d, t23s)



def kernel(x, edge_index, edge_attr, params):
    src = edge_index[0]
    dst = edge_index[1]
    ea_flat = edge_attr.reshape(-1)
    zrow = jnp.zeros((1, H), jnp.float32)
    zpad = jnp.zeros((N, 32), jnp.float32)

    h = _in_proj(x, params["in_w"], params["in_b"])
    for p in params["layers"]:
        hm1 = jnp.concatenate([zrow, h[:-1]], axis=0)
        hp1 = jnp.concatenate([h[1:], zrow], axis=0)
        q, qe, k, v, hc, skip = _stage_a(hm1, h, hp1, p)
        t01d = jnp.concatenate([q[:, :64], qe[:, :32], zpad], axis=1)
        t01s = jnp.concatenate([k[:, :64], v[:, :64]], axis=1)
        t23d = jnp.concatenate([q[:, 64:], qe[:, 32:], zpad], axis=1)
        t23s = jnp.concatenate([k[:, 64:], v[:, 64:]], axis=1)
        outa = _edge_pass(src, dst, ea_flat, t01d, t01s, t23d, t23s)
        h = _stage_b(outa, hc, skip, p)
    return _out_proj(h, params["out_w"], params["out_b"])

# --- scband reference (transcript-rebuilt; emitter-appended) ---
"""Pipeline reference for scband-stgraph-transformer-40200893890747 (READ-ONLY COPY).

The authoritative reference and input builder live on the scoring server;
editing this copy changes nothing except your own understanding.
"""

import jax, jax.numpy as jnp
import numpy as np

N = 10000
E = 320000
D_IN = 128
D_E = 16
H = 128
HEADS = 4
C = 32
OUT = 64
NUM_LAYERS = 3
K = 3


def _mk(k, shape):
    return jax.random.normal(k, shape, dtype=jnp.float32) * 0.05


def setup_inputs(seed: int = 0):
    key = jax.random.key(seed)
    keys = jax.random.split(key, 64)
    x = jax.random.normal(keys[0], (N, D_IN), dtype=jnp.float32)
    edge_index = jax.random.randint(keys[1], (2, E), 0, N, dtype=jnp.int32)
    edge_attr = jax.random.normal(keys[2], (E, D_E), dtype=jnp.float32)
    params = {"in_w": _mk(keys[3], (D_IN, H)), "in_b": jnp.zeros((H,), jnp.float32)}
    layers = []
    for l in range(NUM_LAYERS):
        base = 4 + l * 10
        layers.append({
            "conv_w": _mk(keys[base], (H, H, K)),
            "conv_b": jnp.zeros((H,), jnp.float32),
            "q_w": _mk(keys[base + 1], (H, H)), "q_b": jnp.zeros((H,), jnp.float32),
            "k_w": _mk(keys[base + 2], (H, H)), "k_b": jnp.zeros((H,), jnp.float32),
            "v_w": _mk(keys[base + 3], (H, H)), "v_b": jnp.zeros((H,), jnp.float32),
            "e_w": _mk(keys[base + 4], (D_E, H)),
            "skip_w": _mk(keys[base + 5], (H, H)), "skip_b": jnp.zeros((H,), jnp.float32),
            "ln_g": jnp.ones((H,), jnp.float32), "ln_b": jnp.zeros((H,), jnp.float32),
        })
    params["layers"] = layers
    params["out_w"] = _mk(keys[40], (H, OUT))
    params["out_b"] = jnp.zeros((OUT,), jnp.float32)
    return {"x": x, "edge_index": edge_index, "edge_attr": edge_attr, "params": params}


def _layer_norm(x, g, b):
    mu = jnp.mean(x, axis=-1, keepdims=True)
    var = jnp.mean((x - mu) ** 2, axis=-1, keepdims=True)
    return (x - mu) / jnp.sqrt(var + 1e-5) * g + b


def _transformer_conv(x, src, dst, edge_attr, p):
    n = x.shape[0]
    q = (x @ p["q_w"] + p["q_b"]).reshape(n, HEADS, C)
    k = (x @ p["k_w"] + p["k_b"]).reshape(n, HEADS, C)
    v = (x @ p["v_w"] + p["v_b"]).reshape(n, HEADS, C)
    e = (edge_attr @ p["e_w"]).reshape(-1, HEADS, C)
    q_i = q[dst]
    k_j = k[src] + e
    alpha = jnp.sum(q_i * k_j, axis=-1) / jnp.sqrt(float(C))
    amax = jax.ops.segment_max(alpha, dst, num_segments=n)
    ex = jnp.exp(alpha - amax[dst])
    denom = jax.ops.segment_sum(ex, dst, num_segments=n)
    alpha = ex / (denom[dst] + 1e-16)
    msg = (v[src] + e) * alpha[:, :, None]
    agg = jax.ops.segment_sum(msg, dst, num_segments=n).reshape(n, HEADS * C)
    return agg + (x @ p["skip_w"] + p["skip_b"])


def _forward(x, edge_attr, params, edge_index):
    src = edge_index[0]
    dst = edge_index[1]
    h = x @ params["in_w"] + params["in_b"]
    h = jnp.transpose(h[None], (0, 2, 1))
    for p in params["layers"]:
        h = jax.lax.conv_general_dilated(h, p["conv_w"], (1,), [(1, 1)], dimension_numbers=("NCH", "OIH", "NCH"))
        h = h + p["conv_b"][None, :, None]
        h = jax.nn.relu(h)
        h = jnp.transpose(h, (0, 2, 1))[0]
        residual = h
        h = _transformer_conv(h, src, dst, edge_attr, p)
        h = h + residual
        h = _layer_norm(h, p["ln_g"], p["ln_b"])
        h = jax.nn.gelu(h, approximate=False)
        h = jnp.transpose(h[None], (0, 2, 1))
    h = jnp.transpose(h, (0, 2, 1))[0]
    logits = h @ params["out_w"] + params["out_b"]
    return jax.nn.log_softmax(logits, axis=1)


def reference(x, edge_index, edge_attr, params):
    return _forward(x, edge_attr, params, edge_index)

if __name__ == "__main__":
    import jax
    _d = setup_inputs()
    print(jax.jit(kernel)(*tuple(_d.values())))

</pallas_src>

<mosaic_0001>
#map = affine_map<(d0, d1) -> (0)>
#map1 = affine_map<(d0, d1) -> (0, 0)>
#map2 = affine_map<(d0, d1) -> (0, 0, 0, 0)>
module attributes {stable_mosaic.version = 14 : i64} {
  func.func @_sc_body(%arg0: i32, %arg1: i32, %arg2: memref<320000xi32, #tpu.memory_space<hbm>>, %arg3: memref<320000xi32, #tpu.memory_space<hbm>>, %arg4: memref<5120000xf32, #tpu.memory_space<hbm>>, %arg5: memref<10000x128xf32, #tpu.memory_space<hbm>>, %arg6: memref<10000x128xf32, #tpu.memory_space<hbm>>, %arg7: memref<10000x128xf32, #tpu.memory_space<hbm>>, %arg8: memref<10000x128xf32, #tpu.memory_space<hbm>>, %arg9: memref<2x2x10000x128xf32, #tpu.memory_space<hbm>>, %arg10: memref<80xi32, #tpu.memory_space<vmem>>, %arg11: memref<80xi32, #tpu.memory_space<vmem>>, %arg12: memref<1280xf32, #tpu.memory_space<vmem>>, %arg13: memref<80x128xf32, #tpu.memory_space<vmem>>, %arg14: memref<80x128xf32, #tpu.memory_space<vmem>>, %arg15: memref<80x128xf32, #tpu.memory_space<vmem>>, %arg16: memref<48x128xf32, #tpu.memory_space<vmem>>, %arg17: memref<10000x128xf32, #tpu.memory_space<vmem_shared>>, %arg18: memref<!tpu.dma_semaphore, #tpu.memory_space<semaphore_mem>>, %arg19: memref<!tpu.dma_semaphore, #tpu.memory_space<semaphore_mem>>) attributes {dimension_semantics = [#tpu.dimension_semantics<core_parallel>, #tpu.dimension_semantics<subcore_parallel>], iteration_bounds = array<i64: 2, 16>, scalar_prefetch = 0 : i64, scratch_operands = 10 : i64, tpu.core_type = #tpu.core_type<sc_vector_subcore>, window_params = [{transform_indices = #map}, {transform_indices = #map}, {transform_indices = #map}, {transform_indices = #map1}, {transform_indices = #map1}, {transform_indices = #map1}, {transform_indices = #map1}, {transform_indices = #map2}]} {
    %mul3A = arith.constant 624 : i32
    %mul3A_0 = arith.muli %arg1, %mul3A : i32
    %mul3A_1 = arith.constant 16 : i32
    %mul3A_2 = arith.muli %arg0, %mul3A_1 : i32
    %add3A = arith.addi %mul3A_2, %arg1 : i32
    %mul3A_3 = arith.constant 10000 : i32
    %mul3A_4 = arith.muli %add3A, %mul3A_3 : i32
    %iota3A = tpu.iota {dimensions = array<i32: 0>} : vector<16xi32>
    %eq3A = arith.constant 0 : i32
    %eq3A_5 = vector.broadcast %eq3A : i32 to vector<16xi32>
    %eq3A_6 = arith.cmpi eq, %iota3A, %eq3A_5 : vector<16xi32>
    %jit3A = arith.constant 1.000000e+00 : f32
    %jit3A_7 = arith.constant 0.000000e+00 : f32
    %broadcast_in_dim3A = vector.broadcast %jit3A : f32 to vector<16xf32>
    %broadcast_in_dim3A_8 = vector.broadcast %jit3A_7 : f32 to vector<16xf32>
    %select_n3A = arith.select %eq3A_6, %broadcast_in_dim3A, %broadcast_in_dim3A_8 : vector<16xi1>, vector<16xf32>
    %eq3A_9 = arith.constant 1 : i32
    %eq3A_10 = vector.broadcast %eq3A_9 : i32 to vector<16xi32>
    %eq3A_11 = arith.cmpi eq, %iota3A, %eq3A_10 : vector<16xi32>
    %jit3A_12 = arith.constant 1.000000e+00 : f32
    %jit3A_13 = arith.constant 0.000000e+00 : f32
    %broadcast_in_dim3A_14 = vector.broadcast %jit3A_12 : f32 to vector<16xf32>
    %broadcast_in_dim3A_15 = vector.broadcast %jit3A_13 : f32 to vector<16xf32>
    %select_n3A_16 = arith.select %eq3A_11, %broadcast_in_dim3A_14, %broadcast_in_dim3A_15 : vector<16xi1>, vector<16xf32>
    %xor3A = arith.constant 8 : i32
    %xor3A_17 = vector.broadcast %xor3A : i32 to vector<16xi32>
    %xor3A_18 = arith.xori %iota3A, %xor3A_17 : vector<16xi32>
    %xor3A_19 = arith.constant 4 : i32
    %xor3A_20 = vector.broadcast %xor3A_19 : i32 to vector<16xi32>
    %xor3A_21 = arith.xori %iota3A, %xor3A_20 : vector<16xi32>
    %xor3A_22 = arith.constant 2 : i32
    %xor3A_23 = vector.broadcast %xor3A_22 : i32 to vector<16xi32>
    %xor3A_24 = arith.xori %iota3A, %xor3A_23 : vector<16xi32>
    %xor3A_25 = arith.constant 1 : i32
    %xor3A_26 = vector.broadcast %xor3A_25 : i32 to vector<16xi32>
    %xor3A_27 = arith.xori %iota3A, %xor3A_26 : vector<16xi32>
    %broadcast_in_dim3A_28 = arith.constant 0.000000e+00 : f32
    %broadcast_in_dim3A_29 = vector.broadcast %broadcast_in_dim3A_28 : f32 to vector<16xf32>
    %scan3A = arith.constant 0 : i32
    %scan3A_30 = arith.constant 0 : i32
    %scan3A_31 = arith.constant 48 : i32
    %scan3A_32 = arith.addi %scan3A_30, %scan3A_31 : i32
    %scan3A_33 = arith.constant 1 : i32
    scf.for %scan3A_106 = %scan3A_30 to %scan3A_32 step %scan3A_33  : i32 {
      %swap3A = arith.index_cast %scan3A_106 : i32 to index
      %swap3A_107 = arith.constant 0 : index
      %swap3A_108 = tpu.vector_load %arg16[%swap3A, %swap3A_107] {strides = array<i32>} : memref<48x128xf32, #tpu.memory_space<vmem>>, vector<1x16xf32>,
      %swap3A_109 = vector.shape_cast %swap3A_108 : vector<1x16xf32> to vector<16xf32>
      %swap3A_110 = vector.shape_cast %broadcast_in_dim3A_29 : vector<16xf32> to vector<1x16xf32>
      tpu.vector_store %arg16[%swap3A, %swap3A_107], %swap3A_110 {strides = array<i32>} : memref<48x128xf32, #tpu.memory_space<vmem>>, vector<1x16xf32>,
      %swap3A_111 = arith.index_cast %scan3A_106 : i32 to index
      %swap3A_112 = arith.constant 16 : index
      %swap3A_113 = tpu.vector_load %arg16[%swap3A_111, %swap3A_112] {strides = array<i32>} : memref<48x128xf32, #tpu.memory_space<vmem>>, vector<1x16xf32>,
      %swap3A_114 = vector.shape_cast %swap3A_113 : vector<1x16xf32> to vector<16xf32>
      %swap3A_115 = vector.shape_cast %broadcast_in_dim3A_29 : vector<16xf32> to vector<1x16xf32>
      tpu.vector_store %arg16[%swap3A_111, %swap3A_112], %swap3A_115 {strides = array<i32>} : memref<48x128xf32, #tpu.memory_space<vmem>>, vector<1x16xf32>,
      %swap3A_116 = arith.index_cast %scan3A_106 : i32 to index
      %swap3A_117 = arith.constant 32 : index
      %swap3A_118 = tpu.vector_load %arg16[%swap3A_116, %swap3A_117] {strides = array<i32>} : memref<48x128xf32, #tpu.memory_space<vmem>>, vector<1x16xf32>,
      %swap3A_119 = vector.shape_cast %swap3A_118 : vector<1x16xf32> to vector<16xf32>
      %swap3A_120 = vector.shape_cast %broadcast_in_dim3A_29 : vector<16xf32> to vector<1x16xf32>
      tpu.vector_store %arg16[%swap3A_116, %swap3A_117], %swap3A_120 {strides = array<i32>} : memref<48x128xf32, #tpu.memory_space<vmem>>, vector<1x16xf32>,
      %swap3A_121 = arith.index_cast %scan3A_106 : i32 to index
      %swap3A_122 = arith.constant 48 : index
      %swap3A_123 = tpu.vector_load %arg16[%swap3A_121, %swap3A_122] {strides = array<i32>} : memref<48x128xf32, #tpu.memory_space<vmem>>, vector<1x16xf32>,
      %swap3A_124 = vector.shape_cast %swap3A_123 : vector<1x16xf32> to vector<16xf32>
      %swap3A_125 = vector.shape_cast %broadcast_in_dim3A_29 : vector<16xf32> to vector<1x16xf32>
      tpu.vector_store %arg16[%swap3A_121, %swap3A_122], %swap3A_125 {strides = array<i32>} : memref<48x128xf32, #tpu.memory_space<vmem>>, vector<1x16xf32>,
      %swap3A_126 = arith.index_cast %scan3A_106 : i32 to index
      %swap3A_127 = arith.constant 64 : index
      %swap3A_128 = tpu.vector_load %arg16[%swap3A_126, %swap3A_127] {strides = array<i32>} : memref<48x128xf32, #tpu.memory_space<vmem>>, vector<1x16xf32>,
      %swap3A_129 = vector.shape_cast %swap3A_128 : vector<1x16xf32> to vector<16xf32>
      %swap3A_130 = vector.shape_cast %broadcast_in_dim3A_29 : vector<16xf32> to vector<1x16xf32>
      tpu.vector_store %arg16[%swap3A_126, %swap3A_127], %swap3A_130 {strides = array<i32>} : memref<48x128xf32, #tpu.memory_space<vmem>>, vector<1x16xf32>,
      %swap3A_131 = arith.index_cast %scan3A_106 : i32 to index
      %swap3A_132 = arith.constant 80 : index
      %swap3A_133 = tpu.vector_load %arg16[%swap3A_131, %swap3A_132] {strides = array<i32>} : memref<48x128xf32, #tpu.memory_space<vmem>>, vector<1x16xf32>,
      %swap3A_134 = vector.shape_cast %swap3A_133 : vector<1x16xf32> to vector<16xf32>
      %swap3A_135 = vector.shape_cast %broadcast_in_dim3A_29 : vector<16xf32> to vector<1x16xf32>
      tpu.vector_store %arg16[%swap3A_131, %swap3A_132], %swap3A_135 {strides = array<i32>} : memref<48x128xf32, #tpu.memory_space<vmem>>, vector<1x16xf32>,
      %swap3A_136 = arith.index_cast %scan3A_106 : i32 to index
      %swap3A_137 = arith.constant 96 : index
      %swap3A_138 = tpu.vector_load %arg16[%swap3A_136, %swap3A_137] {strides = array<i32>} : memref<48x128xf32, #tpu.memory_space<vmem>>, vector<1x16xf32>,
      %swap3A_139 = vector.shape_cast %swap3A_138 : vector<1x16xf32> to vector<16xf32>
      %swap3A_140 = vector.shape_cast %broadcast_in_dim3A_29 : vector<16xf32> to vector<1x16xf32>
      tpu.vector_store %arg16[%swap3A_136, %swap3A_137], %swap3A_140 {strides = array<i32>} : memref<48x128xf32, #tpu.memory_space<vmem>>, vector<1x16xf32>,
      %swap3A_141 = arith.index_cast %scan3A_106 : i32 to index
      %swap3A_142 = arith.constant 112 : index
      %swap3A_143 = tpu.vector_load %arg16[%swap3A_141, %swap3A_142] {strides = array<i32>} : memref<48x128xf32, #tpu.memory_space<vmem>>, vector<1x16xf32>,
      %swap3A_144 = vector.shape_cast %swap3A_143 : vector<1x16xf32> to vector<16xf32>
      %swap3A_145 = vector.shape_cast %broadcast_in_dim3A_29 : vector<16xf32> to vector<1x16xf32>
      tpu.vector_store %arg16[%swap3A_141, %swap3A_142], %swap3A_145 {strides = array<i32>} : memref<48x128xf32, #tpu.memory_space<vmem>>, vector<1x16xf32>,
    }
    %scan3A_34 = arith.constant 48 : i32
    %scan3A_35 = arith.constant 0 : i32
    %scan3A_36 = arith.constant 0 : i32
    %scan3A_37 = arith.constant 13 : i32
    %scan3A_38 = arith.addi %scan3A_36, %scan3A_37 : i32
    %scan3A_39 = arith.constant 1 : i32
    scf.for %scan3A_106 = %scan3A_36 to %scan3A_38 step %scan3A_39  : i32 {
      %mul3A_107 = arith.constant 48 : i32
      %mul3A_108 = arith.muli %scan3A_106, %mul3A_107 : i32
      %add3A_109 = arith.addi %mul3A_0, %mul3A_108 : i32
      "tpu.region"() ({
        %run_scoped3A = tpu.sem_alloc : memref<!tpu.dma_semaphore, #tpu.memory_space<semaphore_mem>>
        %dma_start3A = arith.constant 0 : i32
        %dma_start3A_110 = tpu.memref_slice %arg17[%add3A_109, %dma_start3A] : memref<10000x128xf32, #tpu.memory_space<vmem_shared>> -> memref<48x128xf32, #tpu.memory_space<vmem_shared>>
        %dma_start3A_111 = arith.constant 0 : i32
        %dma_start3A_112 = tpu.memref_slice %arg17[%add3A_109, %dma_start3A_111] : memref<10000x128xf32, #tpu.memory_space<vmem_shared>> -> memref<48x128xf32, #tpu.memory_space<vmem_shared>>
        tpu.enqueue_dma source(%arg16 : memref<48x128xf32, #tpu.memory_space<vmem>>) target(%dma_start3A_112 : memref<48x128xf32, #tpu.memory_space<vmem_shared>>) target_semaphore(%run_scoped3A : memref<!tpu.dma_semaphore, #tpu.memory_space<semaphore_mem>>)
        %dma_wait3A = arith.constant 0 : i32
        %dma_wait3A_113 = tpu.memref_slice %arg17[%add3A_109, %dma_wait3A] : memref<10000x128xf32, #tpu.memory_space<vmem_shared>> -> memref<48x128xf32, #tpu.memory_space<vmem_shared>>
        %dma_wait3A_114 = arith.constant 0 : i32
        %dma_wait3A_115 = tpu.memref_slice %arg17[%add3A_109, %dma_wait3A_114] : memref<10000x128xf32, #tpu.memory_space<vmem_shared>> -> memref<48x128xf32, #tpu.memory_space<vmem_shared>>
        tpu.wait_dma2 semaphore(%run_scoped3A : memref<!tpu.dma_semaphore, #tpu.memory_space<semaphore_mem>>) src(%arg16 : memref<48x128xf32, #tpu.memory_space<vmem>>) dst(%dma_wait3A_115 : memref<48x128xf32, #tpu.memory_space<vmem_shared>>)
        tpu.yield
      }) : () -> ()
    }
    %scan3A_40 = arith.constant 13 : i32
    %eq3A_41 = arith.constant 15 : i32
    %eq3A_42 = arith.cmpi eq, %arg1, %eq3A_41 : i32
    %convert_element_type3A = arith.extui %eq3A_42 : i1 to i32
    %cond3A = arith.constant 0 : i32
    %cond3A_43 = arith.cmpi ne, %convert_element_type3A, %cond3A : i32
    scf.if %cond3A_43 {
      "tpu.region"() ({
        %run_scoped3A = tpu.sem_alloc : memref<!tpu.dma_semaphore, #tpu.memory_space<semaphore_mem>>
        %dma_start3A = arith.constant 0 : i32
        %dma_start3A_106 = arith.constant 0 : i32
        %dma_start3A_107 = tpu.memref_slice %arg16[%dma_start3A, %dma_start3A_106] : memref<48x128xf32, #tpu.memory_space<vmem>> -> memref<16x128xf32, #tpu.memory_space<vmem>>
        %dma_start3A_108 = arith.constant 9984 : i32
        %dma_start3A_109 = arith.constant 0 : i32
        %dma_start3A_110 = tpu.memref_slice %arg17[%dma_start3A_108, %dma_start3A_109] : memref<10000x128xf32, #tpu.memory_space<vmem_shared>> -> memref<16x128xf32, #tpu.memory_space<vmem_shared>>
        %dma_start3A_111 = arith.constant 9984 : i32
        %dma_start3A_112 = arith.constant 0 : i32
        %dma_start3A_113 = tpu.memref_slice %arg17[%dma_start3A_111, %dma_start3A_112] : memref<10000x128xf32, #tpu.memory_space<vmem_shared>> -> memref<16x128xf32, #tpu.memory_space<vmem_shared>>
        %dma_start3A_114 = arith.constant 0 : i32
        %dma_start3A_115 = arith.constant 0 : i32
        %dma_start3A_116 = tpu.memref_slice %arg16[%dma_start3A_114, %dma_start3A_115] : memref<48x128xf32, #tpu.memory_space<vmem>> -> memref<16x128xf32, #tpu.memory_space<vmem>>
        tpu.enqueue_dma source(%dma_start3A_116 : memref<16x128xf32, #tpu.memory_space<vmem>>) target(%dma_start3A_113 : memref<16x128xf32, #tpu.memory_space<vmem_shared>>) target_semaphore(%run_scoped3A : memref<!tpu.dma_semaphore, #tpu.memory_space<semaphore_mem>>)
        %dma_wait3A = arith.constant 0 : i32
        %dma_wait3A_117 = arith.constant 0 : i32
        %dma_wait3A_118 = tpu.memref_slice %arg16[%dma_wait3A, %dma_wait3A_117] : memref<48x128xf32, #tpu.memory_space<vmem>> -> memref<16x128xf32, #tpu.memory_space<vmem>>
        %dma_wait3A_119 = arith.constant 9984 : i32
        %dma_wait3A_120 = arith.constant 0 : i32
        %dma_wait3A_121 = tpu.memref_slice %arg17[%dma_wait3A_119, %dma_wait3A_120] : memref<10000x128xf32, #tpu.memory_space<vmem_shared>> -> memref<16x128xf32, #tpu.memory_space<vmem_shared>>
        %dma_wait3A_122 = arith.constant 9984 : i32
        %dma_wait3A_123 = arith.constant 0 : i32
        %dma_wait3A_124 = tpu.memref_slice %arg17[%dma_wait3A_122, %dma_wait3A_123] : memref<10000x128xf32, #tpu.memory_space<vmem_shared>> -> memref<16x128xf32, #tpu.memory_space<vmem_shared>>
        %dma_wait3A_125 = arith.constant 0 : i32
        %dma_wait3A_126 = arith.constant 0 : i32
        %dma_wait3A_127 = tpu.memref_slice %arg16[%dma_wait3A_125, %dma_wait3A_126] : memref<48x128xf32, #tpu.memory_space<vmem>> -> memref<16x128xf32, #tpu.memory_space<vmem>>
        tpu.wait_dma2 semaphore(%run_scoped3A : memref<!tpu.dma_semaphore, #tpu.memory_space<semaphore_mem>>) src(%dma_wait3A_127 : memref<16x128xf32, #tpu.memory_space<vmem>>) dst(%dma_wait3A_124 : memref<16x128xf32, #tpu.memory_space<vmem_shared>>)
        tpu.yield
      }) : () -> ()
    } else {
    }
    %scan3A_44 = arith.constant 0 : i32
    %scan3A_45 = arith.constant 0 : i32
    %scan3A_46 = arith.constant 80 : i32
    %scan3A_47 = arith.addi %scan3A_45, %scan3A_46 : i32
    %scan3A_48 = arith.constant 1 : i32
    scf.for %scan3A_106 = %scan3A_45 to %scan3A_47 step %scan3A_48  : i32 {
      %swap3A = arith.index_cast %scan3A_106 : i32 to index
      %swap3A_107 = arith.constant 112 : index
      %swap3A_108 = tpu.vector_load %arg15[%swap3A, %swap3A_107] {strides = array<i32>} : memref<80x128xf32, #tpu.memory_space<vmem>>, vector<1x16xf32>,
      %swap3A_109 = vector.shape_cast %swap3A_108 : vector<1x16xf32> to vector<16xf32>
      %swap3A_110 = vector.shape_cast %broadcast_in_dim3A_29 : vector<16xf32> to vector<1x16xf32>
      tpu.vector_store %arg15[%swap3A, %swap3A_107], %swap3A_110 {strides = array<i32>} : memref<80x128xf32, #tpu.memory_space<vmem>>, vector<1x16xf32>,
    }
    %scan3A_49 = arith.constant 80 : i32
    %barrier3A = arith.constant 0 : index
    tpu.barrier barrier_id(%barrier3A)
    %scan3A_50 = arith.constant 0 : i32
    %scan3A_51 = arith.constant 0 : i32
    %scan3A_52 = arith.constant 125 : i32
    %scan3A_53 = arith.addi %scan3A_51, %scan3A_52 : i32
    %scan3A_54 = arith.constant 1 : i32
    scf.for %scan3A_106 = %scan3A_51 to %scan3A_53 step %scan3A_54  : i32 {
      %mul3A_107 = arith.constant 80 : i32
      %mul3A_108 = arith.muli %scan3A_106, %mul3A_107 : i32
      %add3A_109 = arith.addi %mul3A_4, %mul3A_108 : i32
      "tpu.region"() ({
        %run_scoped3A = tpu.sem_alloc : memref<!tpu.dma_semaphore, #tpu.memory_space<semaphore_mem>>
        %dma_start3A_128 = tpu.memref_slice %arg2[%add3A_109] : memref<320000xi32, #tpu.memory_space<hbm>> -> memref<80xi32, #tpu.memory_space<hbm>>
        %dma_start3A_129 = tpu.memref_slice %arg2[%add3A_109] : memref<320000xi32, #tpu.memory_space<hbm>> -> memref<80xi32, #tpu.memory_space<hbm>>
        tpu.enqueue_dma source(%dma_start3A_129 : memref<80xi32, #tpu.memory_space<hbm>>) target(%arg10 : memref<80xi32, #tpu.memory_space<vmem>>) target_semaphore(%run_scoped3A : memref<!tpu.dma_semaphore, #tpu.memory_space<semaphore_mem>>)
        %dma_wait3A_130 = tpu.memref_slice %arg2[%add3A_109] : memref<320000xi32, #tpu.memory_space<hbm>> -> memref<80xi32, #tpu.memory_space<hbm>>
        %dma_wait3A_131 = tpu.memref_slice %arg2[%add3A_109] : memref<320000xi32, #tpu.memory_space<hbm>> -> memref<80xi32, #tpu.memory_space<hbm>>
        tpu.wait_dma2 semaphore(%run_scoped3A : memref<!tpu.dma_semaphore, #tpu.memory_space<semaphore_mem>>) src(%dma_wait3A_131 : memref<80xi32, #tpu.memory_space<hbm>>) dst(%arg10 : memref<80xi32, #tpu.memory_space<vmem>>)
        tpu.yield
      }) : () -> ()
      "tpu.region"() ({
        %run_scoped3A = tpu.sem_alloc : memref<!tpu.dma_semaphore, #tpu.memory_space<semaphore_mem>>
        %dma_start3A_128 = tpu.memref_slice %arg3[%add3A_109] : memref<320000xi32, #tpu.memory_space<hbm>> -> memref<80xi32, #tpu.memory_space<hbm>>
        %dma_start3A_129 = tpu.memref_slice %arg3[%add3A_109] : memref<320000xi32, #tpu.memory_space<hbm>> -> memref<80xi32, #tpu.memory_space<hbm>>
        tpu.enqueue_dma source(%dma_start3A_129 : memref<80xi32, #tpu.memory_space<hbm>>) target(%arg11 : memref<80xi32, #tpu.memory_space<vmem>>) target_semaphore(%run_scoped3A : memref<!tpu.dma_semaphore, #tpu.memory_space<semaphore_mem>>)
        %dma_wait3A_130 = tpu.memref_slice %arg3[%add3A_109] : memref<320000xi32, #tpu.memory_space<hbm>> -> memref<80xi32, #tpu.memory_space<hbm>>
        %dma_wait3A_131 = tpu.memref_slice %arg3[%add3A_109] : memref<320000xi32, #tpu.memory_space<hbm>> -> memref<80xi32, #tpu.memory_space<hbm>>
        tpu.wait_dma2 semaphore(%run_scoped3A : memref<!tpu.dma_semaphore, #tpu.memory_space<semaphore_mem>>) src(%dma_wait3A_131 : memref<80xi32, #tpu.memory_space<hbm>>) dst(%arg11 : memref<80xi32, #tpu.memory_space<vmem>>)
        tpu.yield
      }) : () -> ()
      %mul3A_110 = arith.constant 16 : i32
      %mul3A_111 = arith.muli %add3A_109, %mul3A_110 : i32
      "tpu.region"() ({
        %run_scoped3A = tpu.sem_alloc : memref<!tpu.dma_semaphore, #tpu.memory_space<semaphore_mem>>
        %dma_start3A_128 = tpu.memref_slice %arg4[%mul3A_111] : memref<5120000xf32, #tpu.memory_space<hbm>> -> memref<1280xf32, #tpu.memory_space<hbm>>
        %dma_start3A_129 = tpu.memref_slice %arg4[%mul3A_111] : memref<5120000xf32, #tpu.memory_space<hbm>> -> memref<1280xf32, #tpu.memory_space<hbm>>
        tpu.enqueue_dma source(%dma_start3A_129 : memref<1280xf32, #tpu.memory_space<hbm>>) target(%arg12 : memref<1280xf32, #tpu.memory_space<vmem>>) target_semaphore(%run_scoped3A : memref<!tpu.dma_semaphore, #tpu.memory_space<semaphore_mem>>)
        %dma_wait3A_130 = tpu.memref_slice %arg4[%mul3A_111] : memref<5120000xf32, #tpu.memory_space<hbm>> -> memref<1280xf32, #tpu.memory_space<hbm>>
        %dma_wait3A_131 = tpu.memref_slice %arg4[%mul3A_111] : memref<5120000xf32, #tpu.memory_space<hbm>> -> memref<1280xf32, #tpu.memory_space<hbm>>
        tpu.wait_dma2 semaphore(%run_scoped3A : memref<!tpu.dma_semaphore, #tpu.memory_space<semaphore_mem>>) src(%dma_wait3A_131 : memref<1280xf32, #tpu.memory_space<hbm>>) dst(%arg12 : memref<1280xf32, #tpu.memory_space<vmem>>)
        tpu.yield
      }) : () -> ()
      %dma_start3A = arith.constant 0 : i32
      %dma_start3A_112 = arith.constant 0 : i32
      %dma_start3A_113 = tpu.memref_slice %arg6[%dma_start3A, %dma_start3A_112] : memref<10000x128xf32, #tpu.memory_space<hbm>> -> memref<10000x128xf32, #tpu.memory_space<hbm>>
      tpu.enqueue_indirect_dma source(%dma_start3A_113 : memref<10000x128xf32, #tpu.memory_space<hbm>>) target(%arg13 : memref<80x128xf32, #tpu.memory_space<vmem>>) offsets(%arg10 : memref<80xi32, #tpu.memory_space<vmem>>) semaphore(%arg18 : memref<!tpu.dma_semaphore, #tpu.memory_space<semaphore_mem>>)
      %dma_start3A_114 = arith.constant 0 : i32
      %dma_start3A_115 = arith.constant 0 : i32
      %dma_start3A_116 = tpu.memref_slice %arg5[%dma_start3A_114, %dma_start3A_115] : memref<10000x128xf32, #tpu.memory_space<hbm>> -> memref<10000x128xf32, #tpu.memory_space<hbm>>
      tpu.enqueue_indirect_dma source(%dma_start3A_116 : memref<10000x128xf32, #tpu.memory_space<hbm>>) target(%arg14 : memref<80x128xf32, #tpu.memory_space<vmem>>) offsets(%arg11 : memref<80xi32, #tpu.memory_space<vmem>>) semaphore(%arg19 : memref<!tpu.dma_semaphore, #tpu.memory_space<semaphore_mem>>)
      %dma_wait3A = arith.constant 0 : i32
      %dma_wait3A_117 = arith.constant 0 : i32
      %dma_wait3A_118 = tpu.memref_slice %arg6[%dma_wait3A, %dma_wait3A_117] : memref<10000x128xf32, #tpu.memory_space<hbm>> -> memref<10000x128xf32, #tpu.memory_space<hbm>>
      tpu.wait_indirect_dma semaphore(%arg18 : memref<!tpu.dma_semaphore, #tpu.memory_space<semaphore_mem>>) src(%dma_wait3A_118 : memref<10000x128xf32, #tpu.memory_space<hbm>>) dst(%arg13 : memref<80x128xf32, #tpu.memory_space<vmem>>)
      %dma_wait3A_119 = arith.constant 0 : i32
      %dma_wait3A_120 = arith.constant 0 : i32
      %dma_wait3A_121 = tpu.memref_slice %arg5[%dma_wait3A_119, %dma_wait3A_120] : memref<10000x128xf32, #tpu.memory_space<hbm>> -> memref<10000x128xf32, #tpu.memory_space<hbm>>
      tpu.wait_indirect_dma semaphore(%arg19 : memref<!tpu.dma_semaphore, #tpu.memory_space<semaphore_mem>>) src(%dma_wait3A_121 : memref<10000x128xf32, #tpu.memory_space<hbm>>) dst(%arg14 : memref<80x128xf32, #tpu.memory_space<vmem>>)
      %scan3A_122 = arith.constant 0 : i32
      %scan3A_123 = arith.constant 0 : i32
      %scan3A_124 = arith.constant 80 : i32
      %scan3A_125 = arith.addi %scan3A_123, %scan3A_124 : i32
      %scan3A_126 = arith.constant 1 : i32
      scf.for %scan3A_128 = %scan3A_123 to %scan3A_125 step %scan3A_126  : i32 {
        %mul3A_129 = arith.constant 16 : i32
        %mul3A_130 = arith.muli %scan3A_128, %mul3A_129 : i32
        %get3A = arith.index_cast %mul3A_130 : i32 to index
        %get3A_131 = tpu.vector_load %arg12[%get3A] {strides = array<i32>} : memref<1280xf32, #tpu.memory_space<vmem>>, vector<16xf32>,
        %get3A_132 = vector.shape_cast %get3A_131 : vector<16xf32> to vector<16xf32>
        %get3A_133 = arith.index_cast %scan3A_128 : i32 to index
        %get3A_134 = arith.constant 0 : index
        %get3A_135 = tpu.vector_load %arg14[%get3A_133, %get3A_134] {strides = array<i32>} : memref<80x128xf32, #tpu.memory_space<vmem>>, vector<1x16xf32>,
        %get3A_136 = vector.shape_cast %get3A_135 : vector<1x16xf32> to vector<16xf32>
        %get3A_137 = arith.index_cast %scan3A_128 : i32 to index
        %get3A_138 = arith.constant 0 : index
        %get3A_139 = tpu.vector_load %arg13[%get3A_137, %get3A_138] {strides = array<i32>} : memref<80x128xf32, #tpu.memory_space<vmem>>, vector<1x16xf32>,
        %get3A_140 = vector.shape_cast %get3A_139 : vector<1x16xf32> to vector<16xf32>
        %mul3A_141 = arith.mulf %get3A_136, %get3A_140 : vector<16xf32>
        %get3A_142 = arith.index_cast %scan3A_128 : i32 to index
        %get3A_143 = arith.constant 16 : index
        %get3A_144 = tpu.vector_load %arg14[%get3A_142, %get3A_143] {strides = array<i32>} : memref<80x128xf32, #tpu.memory_space<vmem>>, vector<1x16xf32>,
        %get3A_145 = vector.shape_cast %get3A_144 : vector<1x16xf32> to vector<16xf32>
        %get3A_146 = arith.index_cast %scan3A_128 : i32 to index
        %get3A_147 = arith.constant 16 : index
        %get3A_148 = tpu.vector_load %arg13[%get3A_146, %get3A_147] {strides = array<i32>} : memref<80x128xf32, #tpu.memory_space<vmem>>, vector<1x16xf32>,
        %get3A_149 = vector.shape_cast %get3A_148 : vector<1x16xf32> to vector<16xf32>
        %mul3A_150 = arith.mulf %get3A_145, %get3A_149 : vector<16xf32>
        %add3A_151 = arith.addf %mul3A_141, %mul3A_150 : vector<16xf32>
        %get3A_152 = arith.index_cast %scan3A_128 : i32 to index
        %get3A_153 = arith.constant 64 : index
        %get3A_154 = tpu.vector_load %arg14[%get3A_152, %get3A_153] {strides = array<i32>} : memref<80x128xf32, #tpu.memory_space<vmem>>, vector<1x16xf32>,
        %get3A_155 = vector.shape_cast %get3A_154 : vector<1x16xf32> to vector<16xf32>
        %mul3A_156 = arith.mulf %get3A_155, %get3A_132 : vector<16xf32>
        %add3A_157 = arith.addf %add3A_151, %mul3A_156 : vector<16xf32>
        %broadcast_in_dim3A_158 = vector.shape_cast %xor3A_18 : vector<16xi32> to vector<16x1xi32>
        %gather3A = vector.shape_cast %broadcast_in_dim3A_158 : vector<16x1xi32> to vector<16xi32>
        %gather3A_159 = tpu.dynamic_gather %add3A_157[%gather3A] in [0] : vector<16xf32>, vector<16xi32> -> vector<16xf32>
        %add3A_160 = arith.addf %add3A_157, %gather3A_159 : vector<16xf32>
        %broadcast_in_dim3A_161 = vector.shape_cast %xor3A_21 : vector<16xi32> to vector<16x1xi32>
        %gather3A_162 = vector.shape_cast %broadcast_in_dim3A_161 : vector<16x1xi32> to vector<16xi32>
        %gather3A_163 = tpu.dynamic_gather %add3A_160[%gather3A_162] in [0] : vector<16xf32>, vector<16xi32> -> vector<16xf32>
        %add3A_164 = arith.addf %add3A_160, %gather3A_163 : vector<16xf32>
        %broadcast_in_dim3A_165 = vector.shape_cast %xor3A_24 : vector<16xi32> to vector<16x1xi32>
        %gather3A_166 = vector.shape_cast %broadcast_in_dim3A_165 : vector<16x1xi32> to vector<16xi32>
        %gather3A_167 = tpu.dynamic_gather %add3A_164[%gather3A_166] in [0] : vector<16xf32>, vector<16xi32> -> vector<16xf32>
        %add3A_168 = arith.addf %add3A_164, %gather3A_167 : vector<16xf32>
        %broadcast_in_dim3A_169 = vector.shape_cast %xor3A_27 : vector<16xi32> to vector<16x1xi32>
        %gather3A_170 = vector.shape_cast %broadcast_in_dim3A_169 : vector<16x1xi32> to vector<16xi32>
        %gather3A_171 = tpu.dynamic_gather %add3A_168[%gather3A_170] in [0] : vector<16xf32>, vector<16xi32> -> vector<16xf32>
        %add3A_172 = arith.addf %add3A_168, %gather3A_171 : vector<16xf32>
        %mul3A_173 = arith.constant 0.176776692 : f32
        %mul3A_174 = vector.broadcast %mul3A_173 : f32 to vector<16xf32>
        %mul3A_175 = arith.mulf %add3A_172, %mul3A_174 : vector<16xf32>
        %exp3A = math.exp %mul3A_175 : vector<16xf32>
        %get3A_176 = arith.index_cast %scan3A_128 : i32 to index
        %get3A_177 = arith.constant 32 : index
        %get3A_178 = tpu.vector_load %arg14[%get3A_176, %get3A_177] {strides = array<i32>} : memref<80x128xf32, #tpu.memory_space<vmem>>, vector<1x16xf32>,
        %get3A_179 = vector.shape_cast %get3A_178 : vector<1x16xf32> to vector<16xf32>
        %get3A_180 = arith.index_cast %scan3A_128 : i32 to index
        %get3A_181 = arith.constant 32 : index
        %get3A_182 = tpu.vector_load %arg13[%get3A_180, %get3A_181] {strides = array<i32>} : memref<80x128xf32, #tpu.memory_space<vmem>>, vector<1x16xf32>,
        %get3A_183 = vector.shape_cast %get3A_182 : vector<1x16xf32> to vector<16xf32>
        %mul3A_184 = arith.mulf %get3A_179, %get3A_183 : vector<16xf32>
        %get3A_185 = arith.index_cast %scan3A_128 : i32 to index
        %get3A_186 = arith.constant 48 : index
        %get3A_187 = tpu.vector_load %arg14[%get3A_185, %get3A_186] {strides = array<i32>} : memref<80x128xf32, #tpu.memory_space<vmem>>, vector<1x16xf32>,
        %get3A_188 = vector.shape_cast %get3A_187 : vector<1x16xf32> to vector<16xf32>
        %get3A_189 = arith.index_cast %scan3A_128 : i32 to index
        %get3A_190 = arith.constant 48 : index
        %get3A_191 = tpu.vector_load %arg13[%get3A_189, %get3A_190] {strides = array<i32>} : memref<80x128xf32, #tpu.memory_space<vmem>>, vector<1x16xf32>,
        %get3A_192 = vector.shape_cast %get3A_191 : vector<1x16xf32> to vector<16xf32>
        %mul3A_193 = arith.mulf %get3A_188, %get3A_192 : vector<16xf32>
        %add3A_194 = arith.addf %mul3A_184, %mul3A_193 : vector<16xf32>
        %get3A_195 = arith.index_cast %scan3A_128 : i32 to index
        %get3A_196 = arith.constant 80 : index
        %get3A_197 = tpu.vector_load %arg14[%get3A_195, %get3A_196] {strides = array<i32>} : memref<80x128xf32, #tpu.memory_space<vmem>>, vector<1x16xf32>,
        %get3A_198 = vector.shape_cast %get3A_197 : vector<1x16xf32> to vector<16xf32>
        %mul3A_199 = arith.mulf %get3A_198, %get3A_132 : vector<16xf32>
        %add3A_200 = arith.addf %add3A_194, %mul3A_199 : vector<16xf32>
        %broadcast_in_dim3A_201 = vector.shape_cast %xor3A_18 : vector<16xi32> to vector<16x1xi32>
        %gather3A_202 = vector.shape_cast %broadcast_in_dim3A_201 : vector<16x1xi32> to vector<16xi32>
        %gather3A_203 = tpu.dynamic_gather %add3A_200[%gather3A_202] in [0] : vector<16xf32>, vector<16xi32> -> vector<16xf32>
        %add3A_204 = arith.addf %add3A_200, %gather3A_203 : vector<16xf32>
        %broadcast_in_dim3A_205 = vector.shape_cast %xor3A_21 : vector<16xi32> to vector<16x1xi32>
        %gather3A_206 = vector.shape_cast %broadcast_in_dim3A_205 : vector<16x1xi32> to vector<16xi32>
        %gather3A_207 = tpu.dynamic_gather %add3A_204[%gather3A_206] in [0] : vector<16xf32>, vector<16xi32> -> vector<16xf32>
        %add3A_208 = arith.addf %add3A_204, %gather3A_207 : vector<16xf32>
        %broadcast_in_dim3A_209 = vector.shape_cast %xor3A_24 : vector<16xi32> to vector<16x1xi32>
        %gather3A_210 = vector.shape_cast %broadcast_in_dim3A_209 : vector<16x1xi32> to vector<16xi32>
        %gather3A_211 = tpu.dynamic_gather %add3A_208[%gather3A_210] in [0] : vector<16xf32>, vector<16xi32> -> vector<16xf32>
        %add3A_212 = arith.addf %add3A_208, %gather3A_211 : vector<16xf32>
        %broadcast_in_dim3A_213 = vector.shape_cast %xor3A_27 : vector<16xi32> to vector<16x1xi32>
        %gather3A_214 = vector.shape_cast %broadcast_in_dim3A_213 : vector<16x1xi32> to vector<16xi32>
        %gather3A_215 = tpu.dynamic_gather %add3A_212[%gather3A_214] in [0] : vector<16xf32>, vector<16xi32> -> vector<16xf32>
        %add3A_216 = arith.addf %add3A_212, %gather3A_215 : vector<16xf32>
        %mul3A_217 = arith.constant 0.176776692 : f32
        %mul3A_218 = vector.broadcast %mul3A_217 : f32 to vector<16xf32>
        %mul3A_219 = arith.mulf %add3A_216, %mul3A_218 : vector<16xf32>
        %exp3A_220 = math.exp %mul3A_219 : vector<16xf32>
        %mul3A_221 = arith.mulf %exp3A, %select_n3A : vector<16xf32>
        %mul3A_222 = arith.mulf %exp3A_220, %select_n3A_16 : vector<16xf32>
        %add3A_223 = arith.addf %mul3A_221, %mul3A_222 : vector<16xf32>
        %swap3A = arith.index_cast %scan3A_128 : i32 to index
        %swap3A_224 = arith.constant 0 : index
        %swap3A_225 = tpu.vector_load %arg15[%swap3A, %swap3A_224] {strides = array<i32>} : memref<80x128xf32, #tpu.memory_space<vmem>>, vector<1x16xf32>,
        %swap3A_226 = vector.shape_cast %swap3A_225 : vector<1x16xf32> to vector<16xf32>
        %swap3A_227 = vector.shape_cast %add3A_223 : vector<16xf32> to vector<1x16xf32>
        tpu.vector_store %arg15[%swap3A, %swap3A_224], %swap3A_227 {strides = array<i32>} : memref<80x128xf32, #tpu.memory_space<vmem>>, vector<1x16xf32>,
        %get3A_228 = arith.index_cast %scan3A_128 : i32 to index
        %get3A_229 = arith.constant 64 : index
        %get3A_230 = tpu.vector_load %arg13[%get3A_228, %get3A_229] {strides = array<i32>} : memref<80x128xf32, #tpu.memory_space<vmem>>, vector<1x16xf32>,
        %get3A_231 = vector.shape_cast %get3A_230 : vector<1x16xf32> to vector<16xf32>
        %mul3A_232 = arith.mulf %exp3A, %get3A_231 : vector<16xf32>
        %swap3A_233 = arith.index_cast %scan3A_128 : i32 to index
        %swap3A_234 = arith.constant 16 : index
        %swap3A_235 = tpu.vector_load %arg15[%swap3A_233, %swap3A_234] {strides = array<i32>} : memref<80x128xf32, #tpu.memory_space<vmem>>, vector<1x16xf32>,
        %swap3A_236 = vector.shape_cast %swap3A_235 : vector<1x16xf32> to vector<16xf32>
        %swap3A_237 = vector.shape_cast %mul3A_232 : vector<16xf32> to vector<1x16xf32>
        tpu.vector_store %arg15[%swap3A_233, %swap3A_234], %swap3A_237 {strides = array<i32>} : memref<80x128xf32, #tpu.memory_space<vmem>>, vector<1x16xf32>,
        %get3A_238 = arith.index_cast %scan3A_128 : i32 to index
        %get3A_239 = arith.constant 80 : index
        %get3A_240 = tpu.vector_load %arg13[%get3A_238, %get3A_239] {strides = array<i32>} : memref<80x128xf32, #tpu.memory_space<vmem>>, vector<1x16xf32>,
        %get3A_241 = vector.shape_cast %get3A_240 : vector<1x16xf32> to vector<16xf32>
        %mul3A_242 = arith.mulf %exp3A, %get3A_241 : vector<16xf32>
        %swap3A_243 = arith.index_cast %scan3A_128 : i32 to index
        %swap3A_244 = arith.constant 32 : index
        %swap3A_245 = tpu.vector_load %arg15[%swap3A_243, %swap3A_244] {strides = array<i32>} : memref<80x128xf32, #tpu.memory_space<vmem>>, vector<1x16xf32>,
        %swap3A_246 = vector.shape_cast %swap3A_245 : vector<1x16xf32> to vector<16xf32>
        %swap3A_247 = vector.shape_cast %mul3A_242 : vector<16xf32> to vector<1x16xf32>
        tpu.vector_store %arg15[%swap3A_243, %swap3A_244], %swap3A_247 {strides = array<i32>} : memref<80x128xf32, #tpu.memory_space<vmem>>, vector<1x16xf32>,
        %get3A_248 = arith.index_cast %scan3A_128 : i32 to index
        %get3A_249 = arith.constant 96 : index
        %get3A_250 = tpu.vector_load %arg13[%get3A_248, %get3A_249] {strides = array<i32>} : memref<80x128xf32, #tpu.memory_space<vmem>>, vector<1x16xf32>,
        %get3A_251 = vector.shape_cast %get3A_250 : vector<1x16xf32> to vector<16xf32>
        %mul3A_252 = arith.mulf %exp3A_220, %get3A_251 : vector<16xf32>
        %swap3A_253 = arith.index_cast %scan3A_128 : i32 to index
        %swap3A_254 = arith.constant 48 : index
        %swap3A_255 = tpu.vector_load %arg15[%swap3A_253, %swap3A_254] {strides = array<i32>} : memref<80x128xf32, #tpu.memory_space<vmem>>, vector<1x16xf32>,
        %swap3A_256 = vector.shape_cast %swap3A_255 : vector<1x16xf32> to vector<16xf32>
        %swap3A_257 = vector.shape_cast %mul3A_252 : vector<16xf32> to vector<1x16xf32>
        tpu.vector_store %arg15[%swap3A_253, %swap3A_254], %swap3A_257 {strides = array<i32>} : memref<80x128xf32, #tpu.memory_space<vmem>>, vector<1x16xf32>,
        %get3A_258 = arith.index_cast %scan3A_128 : i32 to index
        %get3A_259 = arith.constant 112 : index
        %get3A_260 = tpu.vector_load %arg13[%get3A_258, %get3A_259] {strides = array<i32>} : memref<80x128xf32, #tpu.memory_space<vmem>>, vector<1x16xf32>,
        %get3A_261 = vector.shape_cast %get3A_260 : vector<1x16xf32> to vector<16xf32>
        %mul3A_262 = arith.mulf %exp3A_220, %get3A_261 : vector<16xf32>
        %swap3A_263 = arith.index_cast %scan3A_128 : i32 to index
        %swap3A_264 = arith.constant 64 : index
        %swap3A_265 = tpu.vector_load %arg15[%swap3A_263, %swap3A_264] {strides = array<i32>} : memref<80x128xf32, #tpu.memory_space<vmem>>, vector<1x16xf32>,
        %swap3A_266 = vector.shape_cast %swap3A_265 : vector<1x16xf32> to vector<16xf32>
        %swap3A_267 = vector.shape_cast %mul3A_262 : vector<16xf32> to vector<1x16xf32>
        tpu.vector_store %arg15[%swap3A_263, %swap3A_264], %swap3A_267 {strides = array<i32>} : memref<80x128xf32, #tpu.memory_space<vmem>>, vector<1x16xf32>,
        %mul3A_268 = arith.mulf %exp3A, %get3A_132 : vector<16xf32>
        %swap3A_269 = arith.index_cast %scan3A_128 : i32 to index
        %swap3A_270 = arith.constant 80 : index
        %swap3A_271 = tpu.vector_load %arg15[%swap3A_269, %swap3A_270] {strides = array<i32>} : memref<80x128xf32, #tpu.memory_space<vmem>>, vector<1x16xf32>,
        %swap3A_272 = vector.shape_cast %swap3A_271 : vector<1x16xf32> to vector<16xf32>
        %swap3A_273 = vector.shape_cast %mul3A_268 : vector<16xf32> to vector<1x16xf32>
        tpu.vector_store %arg15[%swap3A_269, %swap3A_270], %swap3A_273 {strides = array<i32>} : memref<80x128xf32, #tpu.memory_space<vmem>>, vector<1x16xf32>,
        %mul3A_274 = arith.mulf %exp3A_220, %get3A_132 : vector<16xf32>
        %swap3A_275 = arith.index_cast %scan3A_128 : i32 to index
        %swap3A_276 = arith.constant 96 : index
        %swap3A_277 = tpu.vector_load %arg15[%swap3A_275, %swap3A_276] {strides = array<i32>} : memref<80x128xf32, #tpu.memory_space<vmem>>, vector<1x16xf32>,
        %swap3A_278 = vector.shape_cast %swap3A_277 : vector<1x16xf32> to vector<16xf32>
        %swap3A_279 = vector.shape_cast %mul3A_274 : vector<16xf32> to vector<1x16xf32>
        tpu.vector_store %arg15[%swap3A_275, %swap3A_276], %swap3A_279 {strides = array<i32>} : memref<80x128xf32, #tpu.memory_space<vmem>>, vector<1x16xf32>,
      }
      %scan3A_127 = arith.constant 80 : i32
      "tpu.region"() ({
        %run_scoped3A = tpu.sem_alloc : memref<!tpu.dma_semaphore, #tpu.memory_space<semaphore_mem>>
        %dma_start3A_128 = arith.constant 0 : i32
        %dma_start3A_129 = arith.constant 0 : i32
        %dma_start3A_130 = tpu.memref_slice %arg17[%dma_start3A_128, %dma_start3A_129] : memref<10000x128xf32, #tpu.memory_space<vmem_shared>> -> memref<10000x128xf32, #tpu.memory_space<vmem_shared>>
        tpu.enqueue_indirect_dma source(%arg15 : memref<80x128xf32, #tpu.memory_space<vmem>>) target(%dma_start3A_130 : memref<10000x128xf32, #tpu.memory_space<vmem_shared>>) offsets(%arg11 : memref<80xi32, #tpu.memory_space<vmem>>) semaphore(%run_scoped3A : memref<!tpu.dma_semaphore, #tpu.memory_space<semaphore_mem>>) {add = true}
        %dma_wait3A_131 = arith.constant 0 : i32
        %dma_wait3A_132 = arith.constant 0 : i32
        %dma_wait3A_133 = tpu.memref_slice %arg17[%dma_wait3A_131, %dma_wait3A_132] : memref<10000x128xf32, #tpu.memory_space<vmem_shared>> -> memref<10000x128xf32, #tpu.memory_space<vmem_shared>>
        tpu.wait_indirect_dma semaphore(%run_scoped3A : memref<!tpu.dma_semaphore, #tpu.memory_space<semaphore_mem>>) src(%arg15 : memref<80x128xf32, #tpu.memory_space<vmem>>) dst(%dma_wait3A_133 : memref<10000x128xf32, #tpu.memory_space<vmem_shared>>)
        tpu.yield
      }) : () -> ()
    }
    %scan3A_55 = arith.constant 125 : i32
    %barrier3A_56 = arith.constant 0 : index
    tpu.barrier barrier_id(%barrier3A_56)
    %scan3A_57 = arith.constant 0 : i32
    %scan3A_58 = arith.constant 0 : i32
    %scan3A_59 = arith.constant 13 : i32
    %scan3A_60 = arith.addi %scan3A_58, %scan3A_59 : i32
    %scan3A_61 = arith.constant 1 : i32
    scf.for %scan3A_106 = %scan3A_58 to %scan3A_60 step %scan3A_61  : i32 {
      %mul3A_107 = arith.constant 48 : i32
      %mul3A_108 = arith.muli %scan3A_106, %mul3A_107 : i32
      %add3A_109 = arith.addi %mul3A_0, %mul3A_108 : i32
      "tpu.region"() ({
        %run_scoped3A_113 = tpu.sem_alloc : memref<!tpu.dma_semaphore, #tpu.memory_space<semaphore_mem>>
        %dma_start3A = arith.constant 0 : i32
        %dma_start3A_114 = arith.constant 0 : i32
        %dma_start3A_115 = tpu.memref_slice %arg15[%dma_start3A, %dma_start3A_114] : memref<80x128xf32, #tpu.memory_space<vmem>> -> memref<48x128xf32, #tpu.memory_space<vmem>>
        %dma_start3A_116 = arith.constant 0 : i32
        %dma_start3A_117 = tpu.memref_slice %arg17[%add3A_109, %dma_start3A_116] : memref<10000x128xf32, #tpu.memory_space<vmem_shared>> -> memref<48x128xf32, #tpu.memory_space<vmem_shared>>
        %dma_start3A_118 = arith.constant 0 : i32
        %dma_start3A_119 = arith.constant 0 : i32
        %dma_start3A_120 = tpu.memref_slice %arg15[%dma_start3A_118, %dma_start3A_119] : memref<80x128xf32, #tpu.memory_space<vmem>> -> memref<48x128xf32, #tpu.memory_space<vmem>>
        %dma_start3A_121 = arith.constant 0 : i32
        %dma_start3A_122 = tpu.memref_slice %arg17[%add3A_109, %dma_start3A_121] : memref<10000x128xf32, #tpu.memory_space<vmem_shared>> -> memref<48x128xf32, #tpu.memory_space<vmem_shared>>
        tpu.enqueue_dma source(%dma_start3A_122 : memref<48x128xf32, #tpu.memory_space<vmem_shared>>) target(%dma_start3A_120 : memref<48x128xf32, #tpu.memory_space<vmem>>) target_semaphore(%run_scoped3A_113 : memref<!tpu.dma_semaphore, #tpu.memory_space<semaphore_mem>>)
        %dma_wait3A = arith.constant 0 : i32
        %dma_wait3A_123 = arith.constant 0 : i32
        %dma_wait3A_124 = tpu.memref_slice %arg15[%dma_wait3A, %dma_wait3A_123] : memref<80x128xf32, #tpu.memory_space<vmem>> -> memref<48x128xf32, #tpu.memory_space<vmem>>
        %dma_wait3A_125 = arith.constant 0 : i32
        %dma_wait3A_126 = tpu.memref_slice %arg17[%add3A_109, %dma_wait3A_125] : memref<10000x128xf32, #tpu.memory_space<vmem_shared>> -> memref<48x128xf32, #tpu.memory_space<vmem_shared>>
        %dma_wait3A_127 = arith.constant 0 : i32
        %dma_wait3A_128 = arith.constant 0 : i32
        %dma_wait3A_129 = tpu.memref_slice %arg15[%dma_wait3A_127, %dma_wait3A_128] : memref<80x128xf32, #tpu.memory_space<vmem>> -> memref<48x128xf32, #tpu.memory_space<vmem>>
        %dma_wait3A_130 = arith.constant 0 : i32
        %dma_wait3A_131 = tpu.memref_slice %arg17[%add3A_109, %dma_wait3A_130] : memref<10000x128xf32, #tpu.memory_space<vmem_shared>> -> memref<48x128xf32, #tpu.memory_space<vmem_shared>>
        tpu.wait_dma2 semaphore(%run_scoped3A_113 : memref<!tpu.dma_semaphore, #tpu.memory_space<semaphore_mem>>) src(%dma_wait3A_131 : memref<48x128xf32, #tpu.memory_space<vmem_shared>>) dst(%dma_wait3A_129 : memref<48x128xf32, #tpu.memory_space<vmem>>)
        tpu.yield
      }) : () -> ()
      %mul3A_110 = arith.constant 48 : i32
      %mul3A_111 = arith.muli %scan3A_106, %mul3A_110 : i32
      %add3A_112 = arith.addi %mul3A_0, %mul3A_111 : i32
      %run_scoped3A = arith.constant 0 : i32
      "tpu.region"() ({
        %run_scoped3A_113 = tpu.sem_alloc : memref<!tpu.dma_semaphore, #tpu.memory_space<semaphore_mem>>
        %dma_start3A = arith.constant 0 : i32
        %dma_start3A_114 = arith.constant 0 : i32
        %dma_start3A_115 = tpu.memref_slice %arg15[%dma_start3A, %dma_start3A_114] : memref<80x128xf32, #tpu.memory_space<vmem>> -> memref<48x128xf32, #tpu.memory_space<vmem>>
        %dma_start3A_116 = arith.constant 0 : i32
        %dma_start3A_117 = tpu.memref_slice %arg9[%run_scoped3A, %arg0, %add3A_112, %dma_start3A_116] : memref<2x2x10000x128xf32, #tpu.memory_space<hbm>> -> memref<1x1x48x128xf32, #tpu.memory_space<hbm>>
        %dma_start3A_118 = tpu.memref_squeeze %dma_start3A_117 : memref<1x1x48x128xf32, #tpu.memory_space<hbm>> -> memref<48x128xf32, #tpu.memory_space<hbm>>
        %dma_start3A_119 = arith.constant 0 : i32
        %dma_start3A_120 = tpu.memref_slice %arg9[%run_scoped3A, %arg0, %add3A_112, %dma_start3A_119] : memref<2x2x10000x128xf32, #tpu.memory_space<hbm>> -> memref<1x1x48x128xf32, #tpu.memory_space<hbm>>
        %dma_start3A_121 = tpu.memref_squeeze %dma_start3A_120 : memref<1x1x48x128xf32, #tpu.memory_space<hbm>> -> memref<48x128xf32, #tpu.memory_space<hbm>>
        %dma_start3A_122 = arith.constant 0 : i32
        %dma_start3A_123 = arith.constant 0 : i32
        %dma_start3A_124 = tpu.memref_slice %arg15[%dma_start3A_122, %dma_start3A_123] : memref<80x128xf32, #tpu.memory_space<vmem>> -> memref<48x128xf32, #tpu.memory_space<vmem>>
        tpu.enqueue_dma source(%dma_start3A_124 : memref<48x128xf32, #tpu.memory_space<vmem>>) target(%dma_start3A_121 : memref<48x128xf32, #tpu.memory_space<hbm>>) target_semaphore(%run_scoped3A_113 : memref<!tpu.dma_semaphore, #tpu.memory_space<semaphore_mem>>)
        %dma_wait3A = arith.constant 0 : i32
        %dma_wait3A_125 = arith.constant 0 : i32
        %dma_wait3A_126 = tpu.memref_slice %arg15[%dma_wait3A, %dma_wait3A_125] : memref<80x128xf32, #tpu.memory_space<vmem>> -> memref<48x128xf32, #tpu.memory_space<vmem>>
        %dma_wait3A_127 = arith.constant 0 : i32
        %dma_wait3A_128 = tpu.memref_slice %arg9[%run_scoped3A, %arg0, %add3A_112, %dma_wait3A_127] : memref<2x2x10000x128xf32, #tpu.memory_space<hbm>> -> memref<1x1x48x128xf32, #tpu.memory_space<hbm>>
        %dma_wait3A_129 = tpu.memref_squeeze %dma_wait3A_128 : memref<1x1x48x128xf32, #tpu.memory_space<hbm>> -> memref<48x128xf32, #tpu.memory_space<hbm>>
        %dma_wait3A_130 = arith.constant 0 : i32
        %dma_wait3A_131 = tpu.memref_slice %arg9[%run_scoped3A, %arg0, %add3A_112, %dma_wait3A_130] : memref<2x2x10000x128xf32, #tpu.memory_space<hbm>> -> memref<1x1x48x128xf32, #tpu.memory_space<hbm>>
        %dma_wait3A_132 = tpu.memref_squeeze %dma_wait3A_131 : memref<1x1x48x128xf32, #tpu.memory_space<hbm>> -> memref<48x128xf32, #tpu.memory_space<hbm>>
        %dma_wait3A_133 = arith.constant 0 : i32
        %dma_wait3A_134 = arith.constant 0 : i32
        %dma_wait3A_135 = tpu.memref_slice %arg15[%dma_wait3A_133, %dma_wait3A_134] : memref<80x128xf32, #tpu.memory_space<vmem>> -> memref<48x128xf32, #tpu.memory_space<vmem>>
        tpu.wait_dma2 semaphore(%run_scoped3A_113 : memref<!tpu.dma_semaphore, #tpu.memory_space<semaphore_mem>>) src(%dma_wait3A_135 : memref<48x128xf32, #tpu.memory_space<vmem>>) dst(%dma_wait3A_132 : memref<48x128xf32, #tpu.memory_space<hbm>>)
        tpu.yield
      }) : () -> ()
    }
    %scan3A_62 = arith.constant 13 : i32
    %eq3A_63 = arith.constant 15 : i32
    %eq3A_64 = arith.cmpi eq, %arg1, %eq3A_63 : i32
    %convert_element_type3A_65 = arith.extui %eq3A_64 : i1 to i32
    %cond3A_66 = arith.constant 0 : i32
    %cond3A_67 = arith.cmpi ne, %convert_element_type3A_65, %cond3A_66 : i32
    scf.if %cond3A_67 {
      "tpu.region"() ({
        %run_scoped3A_106 = tpu.sem_alloc : memref<!tpu.dma_semaphore, #tpu.memory_space<semaphore_mem>>
        %dma_start3A = arith.constant 0 : i32
        %dma_start3A_107 = arith.constant 0 : i32
        %dma_start3A_108 = tpu.memref_slice %arg15[%dma_start3A, %dma_start3A_107] : memref<80x128xf32, #tpu.memory_space<vmem>> -> memref<16x128xf32, #tpu.memory_space<vmem>>
        %dma_start3A_109 = arith.constant 9984 : i32
        %dma_start3A_110 = arith.constant 0 : i32
        %dma_start3A_111 = tpu.memref_slice %arg17[%dma_start3A_109, %dma_start3A_110] : memref<10000x128xf32, #tpu.memory_space<vmem_shared>> -> memref<16x128xf32, #tpu.memory_space<vmem_shared>>
        %dma_start3A_112 = arith.constant 0 : i32
        %dma_start3A_113 = arith.constant 0 : i32
        %dma_start3A_114 = tpu.memref_slice %arg15[%dma_start3A_112, %dma_start3A_113] : memref<80x128xf32, #tpu.memory_space<vmem>> -> memref<16x128xf32, #tpu.memory_space<vmem>>
        %dma_start3A_115 = arith.constant 9984 : i32
        %dma_start3A_116 = arith.constant 0 : i32
        %dma_start3A_117 = tpu.memref_slice %arg17[%dma_start3A_115, %dma_start3A_116] : memref<10000x128xf32, #tpu.memory_space<vmem_shared>> -> memref<16x128xf32, #tpu.memory_space<vmem_shared>>
        tpu.enqueue_dma source(%dma_start3A_117 : memref<16x128xf32, #tpu.memory_space<vmem_shared>>) target(%dma_start3A_114 : memref<16x128xf32, #tpu.memory_space<vmem>>) target_semaphore(%run_scoped3A_106 : memref<!tpu.dma_semaphore, #tpu.memory_space<semaphore_mem>>)
        %dma_wait3A = arith.constant 0 : i32
        %dma_wait3A_118 = arith.constant 0 : i32
        %dma_wait3A_119 = tpu.memref_slice %arg15[%dma_wait3A, %dma_wait3A_118] : memref<80x128xf32, #tpu.memory_space<vmem>> -> memref<16x128xf32, #tpu.memory_space<vmem>>
        %dma_wait3A_120 = arith.constant 9984 : i32
        %dma_wait3A_121 = arith.constant 0 : i32
        %dma_wait3A_122 = tpu.memref_slice %arg17[%dma_wait3A_120, %dma_wait3A_121] : memref<10000x128xf32, #tpu.memory_space<vmem_shared>> -> memref<16x128xf32, #tpu.memory_space<vmem_shared>>
        %dma_wait3A_123 = arith.constant 0 : i32
        %dma_wait3A_124 = arith.constant 0 : i32
        %dma_wait3A_125 = tpu.memref_slice %arg15[%dma_wait3A_123, %dma_wait3A_124] : memref<80x128xf32, #tpu.memory_space<vmem>> -> memref<16x128xf32, #tpu.memory_space<vmem>>
        %dma_wait3A_126 = arith.constant 9984 : i32
        %dma_wait3A_127 = arith.constant 0 : i32
        %dma_wait3A_128 = tpu.memref_slice %arg17[%dma_wait3A_126, %dma_wait3A_127] : memref<10000x128xf32, #tpu.memory_space<vmem_shared>> -> memref<16x128xf32, #tpu.memory_space<vmem_shared>>
        tpu.wait_dma2 semaphore(%run_scoped3A_106 : memref<!tpu.dma_semaphore, #tpu.memory_space<semaphore_mem>>) src(%dma_wait3A_128 : memref<16x128xf32, #tpu.memory_space<vmem_shared>>) dst(%dma_wait3A_125 : memref<16x128xf32, #tpu.memory_space<vmem>>)
        tpu.yield
      }) : () -> ()
      %run_scoped3A = arith.constant 0 : i32
      "tpu.region"() ({
        %run_scoped3A_106 = tpu.sem_alloc : memref<!tpu.dma_semaphore, #tpu.memory_space<semaphore_mem>>
        %dma_start3A = arith.constant 0 : i32
        %dma_start3A_107 = arith.constant 0 : i32
        %dma_start3A_108 = tpu.memref_slice %arg15[%dma_start3A, %dma_start3A_107] : memref<80x128xf32, #tpu.memory_space<vmem>> -> memref<16x128xf32, #tpu.memory_space<vmem>>
        %dma_start3A_109 = arith.constant 9984 : i32
        %dma_start3A_110 = arith.constant 0 : i32
        %dma_start3A_111 = tpu.memref_slice %arg9[%run_scoped3A, %arg0, %dma_start3A_109, %dma_start3A_110] : memref<2x2x10000x128xf32, #tpu.memory_space<hbm>> -> memref<1x1x16x128xf32, #tpu.memory_space<hbm>>
        %dma_start3A_112 = tpu.memref_squeeze %dma_start3A_111 : memref<1x1x16x128xf32, #tpu.memory_space<hbm>> -> memref<16x128xf32, #tpu.memory_space<hbm>>
        %dma_start3A_113 = arith.constant 9984 : i32
        %dma_start3A_114 = arith.constant 0 : i32
        %dma_start3A_115 = tpu.memref_slice %arg9[%run_scoped3A, %arg0, %dma_start3A_113, %dma_start3A_114] : memref<2x2x10000x128xf32, #tpu.memory_space<hbm>> -> memref<1x1x16x128xf32, #tpu.memory_space<hbm>>
        %dma_start3A_116 = tpu.memref_squeeze %dma_start3A_115 : memref<1x1x16x128xf32, #tpu.memory_space<hbm>> -> memref<16x128xf32, #tpu.memory_space<hbm>>
        %dma_start3A_117 = arith.constant 0 : i32
        %dma_start3A_118 = arith.constant 0 : i32
        %dma_start3A_119 = tpu.memref_slice %arg15[%dma_start3A_117, %dma_start3A_118] : memref<80x128xf32, #tpu.memory_space<vmem>> -> memref<16x128xf32, #tpu.memory_space<vmem>>
        tpu.enqueue_dma source(%dma_start3A_119 : memref<16x128xf32, #tpu.memory_space<vmem>>) target(%dma_start3A_116 : memref<16x128xf32, #tpu.memory_space<hbm>>) target_semaphore(%run_scoped3A_106 : memref<!tpu.dma_semaphore, #tpu.memory_space<semaphore_mem>>)
        %dma_wait3A = arith.constant 0 : i32
        %dma_wait3A_120 = arith.constant 0 : i32
        %dma_wait3A_121 = tpu.memref_slice %arg15[%dma_wait3A, %dma_wait3A_120] : memref<80x128xf32, #tpu.memory_space<vmem>> -> memref<16x128xf32, #tpu.memory_space<vmem>>
        %dma_wait3A_122 = arith.constant 9984 : i32
        %dma_wait3A_123 = arith.constant 0 : i32
        %dma_wait3A_124 = tpu.memref_slice %arg9[%run_scoped3A, %arg0, %dma_wait3A_122, %dma_wait3A_123] : memref<2x2x10000x128xf32, #tpu.memory_space<hbm>> -> memref<1x1x16x128xf32, #tpu.memory_space<hbm>>
        %dma_wait3A_125 = tpu.memref_squeeze %dma_wait3A_124 : memref<1x1x16x128xf32, #tpu.memory_space<hbm>> -> memref<16x128xf32, #tpu.memory_space<hbm>>
        %dma_wait3A_126 = arith.constant 9984 : i32
        %dma_wait3A_127 = arith.constant 0 : i32
        %dma_wait3A_128 = tpu.memref_slice %arg9[%run_scoped3A, %arg0, %dma_wait3A_126, %dma_wait3A_127] : memref<2x2x10000x128xf32, #tpu.memory_space<hbm>> -> memref<1x1x16x128xf32, #tpu.memory_space<hbm>>
        %dma_wait3A_129 = tpu.memref_squeeze %dma_wait3A_128 : memref<1x1x16x128xf32, #tpu.memory_space<hbm>> -> memref<16x128xf32, #tpu.memory_space<hbm>>
        %dma_wait3A_130 = arith.constant 0 : i32
        %dma_wait3A_131 = arith.constant 0 : i32
        %dma_wait3A_132 = tpu.memref_slice %arg15[%dma_wait3A_130, %dma_wait3A_131] : memref<80x128xf32, #tpu.memory_space<vmem>> -> memref<16x128xf32, #tpu.memory_space<vmem>>
        tpu.wait_dma2 semaphore(%run_scoped3A_106 : memref<!tpu.dma_semaphore, #tpu.memory_space<semaphore_mem>>) src(%dma_wait3A_132 : memref<16x128xf32, #tpu.memory_space<vmem>>) dst(%dma_wait3A_129 : memref<16x128xf32, #tpu.memory_space<hbm>>)
        tpu.yield
      }) : () -> ()
    } else {
    }
    %barrier3A_68 = arith.constant 0 : index
    tpu.barrier barrier_id(%barrier3A_68)
    %scan3A_69 = arith.constant 0 : i32
    %scan3A_70 = arith.constant 0 : i32
    %scan3A_71 = arith.constant 13 : i32
    %scan3A_72 = arith.addi %scan3A_70, %scan3A_71 : i32
    %scan3A_73 = arith.constant 1 : i32
    scf.for %scan3A_106 = %scan3A_70 to %scan3A_72 step %scan3A_73  : i32 {
      %mul3A_107 = arith.constant 48 : i32
      %mul3A_108 = arith.muli %scan3A_106, %mul3A_107 : i32
      %add3A_109 = arith.addi %mul3A_0, %mul3A_108 : i32
      "tpu.region"() ({
        %run_scoped3A = tpu.sem_alloc : memref<!tpu.dma_semaphore, #tpu.memory_space<semaphore_mem>>
        %dma_start3A = arith.constant 0 : i32
        %dma_start3A_110 = tpu.memref_slice %arg17[%add3A_109, %dma_start3A] : memref<10000x128xf32, #tpu.memory_space<vmem_shared>> -> memref<48x128xf32, #tpu.memory_space<vmem_shared>>
        %dma_start3A_111 = arith.constant 0 : i32
        %dma_start3A_112 = tpu.memref_slice %arg17[%add3A_109, %dma_start3A_111] : memref<10000x128xf32, #tpu.memory_space<vmem_shared>> -> memref<48x128xf32, #tpu.memory_space<vmem_shared>>
        tpu.enqueue_dma source(%arg16 : memref<48x128xf32, #tpu.memory_space<vmem>>) target(%dma_start3A_112 : memref<48x128xf32, #tpu.memory_space<vmem_shared>>) target_semaphore(%run_scoped3A : memref<!tpu.dma_semaphore, #tpu.memory_space<semaphore_mem>>)
        %dma_wait3A = arith.constant 0 : i32
        %dma_wait3A_113 = tpu.memref_slice %arg17[%add3A_109, %dma_wait3A] : memref<10000x128xf32, #tpu.memory_space<vmem_shared>> -> memref<48x128xf32, #tpu.memory_space<vmem_shared>>
        %dma_wait3A_114 = arith.constant 0 : i32
        %dma_wait3A_115 = tpu.memref_slice %arg17[%add3A_109, %dma_wait3A_114] : memref<10000x128xf32, #tpu.memory_space<vmem_shared>> -> memref<48x128xf32, #tpu.memory_space<vmem_shared>>
        tpu.wait_dma2 semaphore(%run_scoped3A : memref<!tpu.dma_semaphore, #tpu.memory_space<semaphore_mem>>) src(%arg16 : memref<48x128xf32, #tpu.memory_space<vmem>>) dst(%dma_wait3A_115 : memref<48x128xf32, #tpu.memory_space<vmem_shared>>)
        tpu.yield
      }) : () -> ()
    }
    %scan3A_74 = arith.constant 13 : i32
    %eq3A_75 = arith.constant 15 : i32
    %eq3A_76 = arith.cmpi eq, %arg1, %eq3A_75 : i32
    %convert_element_type3A_77 = arith.extui %eq3A_76 : i1 to i32
    %cond3A_78 = arith.constant 0 : i32
    %cond3A_79 = arith.cmpi ne, %convert_element_type3A_77, %cond3A_78 : i32
    scf.if %cond3A_79 {
      "tpu.region"() ({
        %run_scoped3A = tpu.sem_alloc : memref<!tpu.dma_semaphore, #tpu.memory_space<semaphore_mem>>
        %dma_start3A = arith.constant 0 : i32
        %dma_start3A_106 = arith.constant 0 : i32
        %dma_start3A_107 = tpu.memref_slice %arg16[%dma_start3A, %dma_start3A_106] : memref<48x128xf32, #tpu.memory_space<vmem>> -> memref<16x128xf32, #tpu.memory_space<vmem>>
        %dma_start3A_108 = arith.constant 9984 : i32
        %dma_start3A_109 = arith.constant 0 : i32
        %dma_start3A_110 = tpu.memref_slice %arg17[%dma_start3A_108, %dma_start3A_109] : memref<10000x128xf32, #tpu.memory_space<vmem_shared>> -> memref<16x128xf32, #tpu.memory_space<vmem_shared>>
        %dma_start3A_111 = arith.constant 9984 : i32
        %dma_start3A_112 = arith.constant 0 : i32
        %dma_start3A_113 = tpu.memref_slice %arg17[%dma_start3A_111, %dma_start3A_112] : memref<10000x128xf32, #tpu.memory_space<vmem_shared>> -> memref<16x128xf32, #tpu.memory_space<vmem_shared>>
        %dma_start3A_114 = arith.constant 0 : i32
        %dma_start3A_115 = arith.constant 0 : i32
        %dma_start3A_116 = tpu.memref_slice %arg16[%dma_start3A_114, %dma_start3A_115] : memref<48x128xf32, #tpu.memory_space<vmem>> -> memref<16x128xf32, #tpu.memory_space<vmem>>
        tpu.enqueue_dma source(%dma_start3A_116 : memref<16x128xf32, #tpu.memory_space<vmem>>) target(%dma_start3A_113 : memref<16x128xf32, #tpu.memory_space<vmem_shared>>) target_semaphore(%run_scoped3A : memref<!tpu.dma_semaphore, #tpu.memory_space<semaphore_mem>>)
        %dma_wait3A = arith.constant 0 : i32
        %dma_wait3A_117 = arith.constant 0 : i32
        %dma_wait3A_118 = tpu.memref_slice %arg16[%dma_wait3A, %dma_wait3A_117] : memref<48x128xf32, #tpu.memory_space<vmem>> -> memref<16x128xf32, #tpu.memory_space<vmem>>
        %dma_wait3A_119 = arith.constant 9984 : i32
        %dma_wait3A_120 = arith.constant 0 : i32
        %dma_wait3A_121 = tpu.memref_slice %arg17[%dma_wait3A_119, %dma_wait3A_120] : memref<10000x128xf32, #tpu.memory_space<vmem_shared>> -> memref<16x128xf32, #tpu.memory_space<vmem_shared>>
        %dma_wait3A_122 = arith.constant 9984 : i32
        %dma_wait3A_123 = arith.constant 0 : i32
        %dma_wait3A_124 = tpu.memref_slice %arg17[%dma_wait3A_122, %dma_wait3A_123] : memref<10000x128xf32, #tpu.memory_space<vmem_shared>> -> memref<16x128xf32, #tpu.memory_space<vmem_shared>>
        %dma_wait3A_125 = arith.constant 0 : i32
        %dma_wait3A_126 = arith.constant 0 : i32
        %dma_wait3A_127 = tpu.memref_slice %arg16[%dma_wait3A_125, %dma_wait3A_126] : memref<48x128xf32, #tpu.memory_space<vmem>> -> memref<16x128xf32, #tpu.memory_space<vmem>>
        tpu.wait_dma2 semaphore(%run_scoped3A : memref<!tpu.dma_semaphore, #tpu.memory_space<semaphore_mem>>) src(%dma_wait3A_127 : memref<16x128xf32, #tpu.memory_space<vmem>>) dst(%dma_wait3A_124 : memref<16x128xf32, #tpu.memory_space<vmem_shared>>)
        tpu.yield
      }) : () -> ()
    } else {
    }
    %scan3A_80 = arith.constant 0 : i32
    %scan3A_81 = arith.constant 0 : i32
    %scan3A_82 = arith.constant 80 : i32
    %scan3A_83 = arith.addi %scan3A_81, %scan3A_82 : i32
    %scan3A_84 = arith.constant 1 : i32
    scf.for %scan3A_106 = %scan3A_81 to %scan3A_83 step %scan3A_84  : i32 {
      %swap3A = arith.index_cast %scan3A_106 : i32 to index
      %swap3A_107 = arith.constant 112 : index
      %swap3A_108 = tpu.vector_load %arg15[%swap3A, %swap3A_107] {strides = array<i32>} : memref<80x128xf32, #tpu.memory_space<vmem>>, vector<1x16xf32>,
      %swap3A_109 = vector.shape_cast %swap3A_108 : vector<1x16xf32> to vector<16xf32>
      %swap3A_110 = vector.shape_cast %broadcast_in_dim3A_29 : vector<16xf32> to vector<1x16xf32>
      tpu.vector_store %arg15[%swap3A, %swap3A_107], %swap3A_110 {strides = array<i32>} : memref<80x128xf32, #tpu.memory_space<vmem>>, vector<1x16xf32>,
    }
    %scan3A_85 = arith.constant 80 : i32
    %barrier3A_86 = arith.constant 0 : index
    tpu.barrier barrier_id(%barrier3A_86)
    %scan3A_87 = arith.constant 0 : i32
    %scan3A_88 = arith.constant 0 : i32
    %scan3A_89 = arith.constant 125 : i32
    %scan3A_90 = arith.addi %scan3A_88, %scan3A_89 : i32
    %scan3A_91 = arith.constant 1 : i32
    scf.for %scan3A_106 = %scan3A_88 to %scan3A_90 step %scan3A_91  : i32 {
      %mul3A_107 = arith.constant 80 : i32
      %mul3A_108 = arith.muli %scan3A_106, %mul3A_107 : i32
      %add3A_109 = arith.addi %mul3A_4, %mul3A_108 : i32
      "tpu.region"() ({
        %run_scoped3A = tpu.sem_alloc : memref<!tpu.dma_semaphore, #tpu.memory_space<semaphore_mem>>
        %dma_start3A_128 = tpu.memref_slice %arg2[%add3A_109] : memref<320000xi32, #tpu.memory_space<hbm>> -> memref<80xi32, #tpu.memory_space<hbm>>
        %dma_start3A_129 = tpu.memref_slice %arg2[%add3A_109] : memref<320000xi32, #tpu.memory_space<hbm>> -> memref<80xi32, #tpu.memory_space<hbm>>
        tpu.enqueue_dma source(%dma_start3A_129 : memref<80xi32, #tpu.memory_space<hbm>>) target(%arg10 : memref<80xi32, #tpu.memory_space<vmem>>) target_semaphore(%run_scoped3A : memref<!tpu.dma_semaphore, #tpu.memory_space<semaphore_mem>>)
        %dma_wait3A_130 = tpu.memref_slice %arg2[%add3A_109] : memref<320000xi32, #tpu.memory_space<hbm>> -> memref<80xi32, #tpu.memory_space<hbm>>
        %dma_wait3A_131 = tpu.memref_slice %arg2[%add3A_109] : memref<320000xi32, #tpu.memory_space<hbm>> -> memref<80xi32, #tpu.memory_space<hbm>>
        tpu.wait_dma2 semaphore(%run_scoped3A : memref<!tpu.dma_semaphore, #tpu.memory_space<semaphore_mem>>) src(%dma_wait3A_131 : memref<80xi32, #tpu.memory_space<hbm>>) dst(%arg10 : memref<80xi32, #tpu.memory_space<vmem>>)
        tpu.yield
      }) : () -> ()
      "tpu.region"() ({
        %run_scoped3A = tpu.sem_alloc : memref<!tpu.dma_semaphore, #tpu.memory_space<semaphore_mem>>
        %dma_start3A_128 = tpu.memref_slice %arg3[%add3A_109] : memref<320000xi32, #tpu.memory_space<hbm>> -> memref<80xi32, #tpu.memory_space<hbm>>
        %dma_start3A_129 = tpu.memref_slice %arg3[%add3A_109] : memref<320000xi32, #tpu.memory_space<hbm>> -> memref<80xi32, #tpu.memory_space<hbm>>
        tpu.enqueue_dma source(%dma_start3A_129 : memref<80xi32, #tpu.memory_space<hbm>>) target(%arg11 : memref<80xi32, #tpu.memory_space<vmem>>) target_semaphore(%run_scoped3A : memref<!tpu.dma_semaphore, #tpu.memory_space<semaphore_mem>>)
        %dma_wait3A_130 = tpu.memref_slice %arg3[%add3A_109] : memref<320000xi32, #tpu.memory_space<hbm>> -> memref<80xi32, #tpu.memory_space<hbm>>
        %dma_wait3A_131 = tpu.memref_slice %arg3[%add3A_109] : memref<320000xi32, #tpu.memory_space<hbm>> -> memref<80xi32, #tpu.memory_space<hbm>>
        tpu.wait_dma2 semaphore(%run_scoped3A : memref<!tpu.dma_semaphore, #tpu.memory_space<semaphore_mem>>) src(%dma_wait3A_131 : memref<80xi32, #tpu.memory_space<hbm>>) dst(%arg11 : memref<80xi32, #tpu.memory_space<vmem>>)
        tpu.yield
      }) : () -> ()
      %mul3A_110 = arith.constant 16 : i32
      %mul3A_111 = arith.muli %add3A_109, %mul3A_110 : i32
      "tpu.region"() ({
        %run_scoped3A = tpu.sem_alloc : memref<!tpu.dma_semaphore, #tpu.memory_space<semaphore_mem>>
        %dma_start3A_128 = tpu.memref_slice %arg4[%mul3A_111] : memref<5120000xf32, #tpu.memory_space<hbm>> -> memref<1280xf32, #tpu.memory_space<hbm>>
        %dma_start3A_129 = tpu.memref_slice %arg4[%mul3A_111] : memref<5120000xf32, #tpu.memory_space<hbm>> -> memref<1280xf32, #tpu.memory_space<hbm>>
        tpu.enqueue_dma source(%dma_start3A_129 : memref<1280xf32, #tpu.memory_space<hbm>>) target(%arg12 : memref<1280xf32, #tpu.memory_space<vmem>>) target_semaphore(%run_scoped3A : memref<!tpu.dma_semaphore, #tpu.memory_space<semaphore_mem>>)
        %dma_wait3A_130 = tpu.memref_slice %arg4[%mul3A_111] : memref<5120000xf32, #tpu.memory_space<hbm>> -> memref<1280xf32, #tpu.memory_space<hbm>>
        %dma_wait3A_131 = tpu.memref_slice %arg4[%mul3A_111] : memref<5120000xf32, #tpu.memory_space<hbm>> -> memref<1280xf32, #tpu.memory_space<hbm>>
        tpu.wait_dma2 semaphore(%run_scoped3A : memref<!tpu.dma_semaphore, #tpu.memory_space<semaphore_mem>>) src(%dma_wait3A_131 : memref<1280xf32, #tpu.memory_space<hbm>>) dst(%arg12 : memref<1280xf32, #tpu.memory_space<vmem>>)
        tpu.yield
      }) : () -> ()
      %dma_start3A = arith.constant 0 : i32
      %dma_start3A_112 = arith.constant 0 : i32
      %dma_start3A_113 = tpu.memref_slice %arg8[%dma_start3A, %dma_start3A_112] : memref<10000x128xf32, #tpu.memory_space<hbm>> -> memref<10000x128xf32, #tpu.memory_space<hbm>>
      tpu.enqueue_indirect_dma source(%dma_start3A_113 : memref<10000x128xf32, #tpu.memory_space<hbm>>) target(%arg13 : memref<80x128xf32, #tpu.memory_space<vmem>>) offsets(%arg10 : memref<80xi32, #tpu.memory_space<vmem>>) semaphore(%arg18 : memref<!tpu.dma_semaphore, #tpu.memory_space<semaphore_mem>>)
      %dma_start3A_114 = arith.constant 0 : i32
      %dma_start3A_115 = arith.constant 0 : i32
      %dma_start3A_116 = tpu.memref_slice %arg7[%dma_start3A_114, %dma_start3A_115] : memref<10000x128xf32, #tpu.memory_space<hbm>> -> memref<10000x128xf32, #tpu.memory_space<hbm>>
      tpu.enqueue_indirect_dma source(%dma_start3A_116 : memref<10000x128xf32, #tpu.memory_space<hbm>>) target(%arg14 : memref<80x128xf32, #tpu.memory_space<vmem>>) offsets(%arg11 : memref<80xi32, #tpu.memory_space<vmem>>) semaphore(%arg19 : memref<!tpu.dma_semaphore, #tpu.memory_space<semaphore_mem>>)
      %dma_wait3A = arith.constant 0 : i32
      %dma_wait3A_117 = arith.constant 0 : i32
      %dma_wait3A_118 = tpu.memref_slice %arg8[%dma_wait3A, %dma_wait3A_117] : memref<10000x128xf32, #tpu.memory_space<hbm>> -> memref<10000x128xf32, #tpu.memory_space<hbm>>
      tpu.wait_indirect_dma semaphore(%arg18 : memref<!tpu.dma_semaphore, #tpu.memory_space<semaphore_mem>>) src(%dma_wait3A_118 : memref<10000x128xf32, #tpu.memory_space<hbm>>) dst(%arg13 : memref<80x128xf32, #tpu.memory_space<vmem>>)
      %dma_wait3A_119 = arith.constant 0 : i32
      %dma_wait3A_120 = arith.constant 0 : i32
      %dma_wait3A_121 = tpu.memref_slice %arg7[%dma_wait3A_119, %dma_wait3A_120] : memref<10000x128xf32, #tpu.memory_space<hbm>> -> memref<10000x128xf32, #tpu.memory_space<hbm>>
      tpu.wait_indirect_dma semaphore(%arg19 : memref<!tpu.dma_semaphore, #tpu.memory_space<semaphore_mem>>) src(%dma_wait3A_121 : memref<10000x128xf32, #tpu.memory_space<hbm>>) dst(%arg14 : memref<80x128xf32, #tpu.memory_space<vmem>>)
      %scan3A_122 = arith.constant 0 : i32
      %scan3A_123 = arith.constant 0 : i32
      %scan3A_124 = arith.constant 80 : i32
      %scan3A_125 = arith.addi %scan3A_123, %scan3A_124 : i32
      %scan3A_126 = arith.constant 1 : i32
      scf.for %scan3A_128 = %scan3A_123 to %scan3A_125 step %scan3A_126  : i32 {
        %mul3A_129 = arith.constant 16 : i32
        %mul3A_130 = arith.muli %scan3A_128, %mul3A_129 : i32
        %get3A = arith.index_cast %mul3A_130 : i32 to index
        %get3A_131 = tpu.vector_load %arg12[%get3A] {strides = array<i32>} : memref<1280xf32, #tpu.memory_space<vmem>>, vector<16xf32>,
        %get3A_132 = vector.shape_cast %get3A_131 : vector<16xf32> to vector<16xf32>
        %get3A_133 = arith.index_cast %scan3A_128 : i32 to index
        %get3A_134 = arith.constant 0 : index
        %get3A_135 = tpu.vector_load %arg14[%get3A_133, %get3A_134] {strides = array<i32>} : memref<80x128xf32, #tpu.memory_space<vmem>>, vector<1x16xf32>,
        %get3A_136 = vector.shape_cast %get3A_135 : vector<1x16xf32> to vector<16xf32>
        %get3A_137 = arith.index_cast %scan3A_128 : i32 to index
        %get3A_138 = arith.constant 0 : index
        %get3A_139 = tpu.vector_load %arg13[%get3A_137, %get3A_138] {strides = array<i32>} : memref<80x128xf32, #tpu.memory_space<vmem>>, vector<1x16xf32>,
        %get3A_140 = vector.shape_cast %get3A_139 : vector<1x16xf32> to vector<16xf32>
        %mul3A_141 = arith.mulf %get3A_136, %get3A_140 : vector<16xf32>
        %get3A_142 = arith.index_cast %scan3A_128 : i32 to index
        %get3A_143 = arith.constant 16 : index
        %get3A_144 = tpu.vector_load %arg14[%get3A_142, %get3A_143] {strides = array<i32>} : memref<80x128xf32, #tpu.memory_space<vmem>>, vector<1x16xf32>,
        %get3A_145 = vector.shape_cast %get3A_144 : vector<1x16xf32> to vector<16xf32>
        %get3A_146 = arith.index_cast %scan3A_128 : i32 to index
        %get3A_147 = arith.constant 16 : index
        %get3A_148 = tpu.vector_load %arg13[%get3A_146, %get3A_147] {strides = array<i32>} : memref<80x128xf32, #tpu.memory_space<vmem>>, vector<1x16xf32>,
        %get3A_149 = vector.shape_cast %get3A_148 : vector<1x16xf32> to vector<16xf32>
        %mul3A_150 = arith.mulf %get3A_145, %get3A_149 : vector<16xf32>
        %add3A_151 = arith.addf %mul3A_141, %mul3A_150 : vector<16xf32>
        %get3A_152 = arith.index_cast %scan3A_128 : i32 to index
        %get3A_153 = arith.constant 64 : index
        %get3A_154 = tpu.vector_load %arg14[%get3A_152, %get3A_153] {strides = array<i32>} : memref<80x128xf32, #tpu.memory_space<vmem>>, vector<1x16xf32>,
        %get3A_155 = vector.shape_cast %get3A_154 : vector<1x16xf32> to vector<16xf32>
        %mul3A_156 = arith.mulf %get3A_155, %get3A_132 : vector<16xf32>
        %add3A_157 = arith.addf %add3A_151, %mul3A_156 : vector<16xf32>
        %broadcast_in_dim3A_158 = vector.shape_cast %xor3A_18 : vector<16xi32> to vector<16x1xi32>
        %gather3A = vector.shape_cast %broadcast_in_dim3A_158 : vector<16x1xi32> to vector<16xi32>
        %gather3A_159 = tpu.dynamic_gather %add3A_157[%gather3A] in [0] : vector<16xf32>, vector<16xi32> -> vector<16xf32>
        %add3A_160 = arith.addf %add3A_157, %gather3A_159 : vector<16xf32>
        %broadcast_in_dim3A_161 = vector.shape_cast %xor3A_21 : vector<16xi32> to vector<16x1xi32>
        %gather3A_162 = vector.shape_cast %broadcast_in_dim3A_161 : vector<16x1xi32> to vector<16xi32>
        %gather3A_163 = tpu.dynamic_gather %add3A_160[%gather3A_162] in [0] : vector<16xf32>, vector<16xi32> -> vector<16xf32>
        %add3A_164 = arith.addf %add3A_160, %gather3A_163 : vector<16xf32>
        %broadcast_in_dim3A_165 = vector.shape_cast %xor3A_24 : vector<16xi32> to vector<16x1xi32>
        %gather3A_166 = vector.shape_cast %broadcast_in_dim3A_165 : vector<16x1xi32> to vector<16xi32>
        %gather3A_167 = tpu.dynamic_gather %add3A_164[%gather3A_166] in [0] : vector<16xf32>, vector<16xi32> -> vector<16xf32>
        %add3A_168 = arith.addf %add3A_164, %gather3A_167 : vector<16xf32>
        %broadcast_in_dim3A_169 = vector.shape_cast %xor3A_27 : vector<16xi32> to vector<16x1xi32>
        %gather3A_170 = vector.shape_cast %broadcast_in_dim3A_169 : vector<16x1xi32> to vector<16xi32>
        %gather3A_171 = tpu.dynamic_gather %add3A_168[%gather3A_170] in [0] : vector<16xf32>, vector<16xi32> -> vector<16xf32>
        %add3A_172 = arith.addf %add3A_168, %gather3A_171 : vector<16xf32>
        %mul3A_173 = arith.constant 0.176776692 : f32
        %mul3A_174 = vector.broadcast %mul3A_173 : f32 to vector<16xf32>
        %mul3A_175 = arith.mulf %add3A_172, %mul3A_174 : vector<16xf32>
        %exp3A = math.exp %mul3A_175 : vector<16xf32>
        %get3A_176 = arith.index_cast %scan3A_128 : i32 to index
        %get3A_177 = arith.constant 32 : index
        %get3A_178 = tpu.vector_load %arg14[%get3A_176, %get3A_177] {strides = array<i32>} : memref<80x128xf32, #tpu.memory_space<vmem>>, vector<1x16xf32>,
        %get3A_179 = vector.shape_cast %get3A_178 : vector<1x16xf32> to vector<16xf32>
        %get3A_180 = arith.index_cast %scan3A_128 : i32 to index
        %get3A_181 = arith.constant 32 : index
        %get3A_182 = tpu.vector_load %arg13[%get3A_180, %get3A_181] {strides = array<i32>} : memref<80x128xf32, #tpu.memory_space<vmem>>, vector<1x16xf32>,
        %get3A_183 = vector.shape_cast %get3A_182 : vector<1x16xf32> to vector<16xf32>
        %mul3A_184 = arith.mulf %get3A_179, %get3A_183 : vector<16xf32>
        %get3A_185 = arith.index_cast %scan3A_128 : i32 to index
        %get3A_186 = arith.constant 48 : index
        %get3A_187 = tpu.vector_load %arg14[%get3A_185, %get3A_186] {strides = array<i32>} : memref<80x128xf32, #tpu.memory_space<vmem>>, vector<1x16xf32>,
        %get3A_188 = vector.shape_cast %get3A_187 : vector<1x16xf32> to vector<16xf32>
        %get3A_189 = arith.index_cast %scan3A_128 : i32 to index
        %get3A_190 = arith.constant 48 : index
        %get3A_191 = tpu.vector_load %arg13[%get3A_189, %get3A_190] {strides = array<i32>} : memref<80x128xf32, #tpu.memory_space<vmem>>, vector<1x16xf32>,
        %get3A_192 = vector.shape_cast %get3A_191 : vector<1x16xf32> to vector<16xf32>
        %mul3A_193 = arith.mulf %get3A_188, %get3A_192 : vector<16xf32>
        %add3A_194 = arith.addf %mul3A_184, %mul3A_193 : vector<16xf32>
        %get3A_195 = arith.index_cast %scan3A_128 : i32 to index
        %get3A_196 = arith.constant 80 : index
        %get3A_197 = tpu.vector_load %arg14[%get3A_195, %get3A_196] {strides = array<i32>} : memref<80x128xf32, #tpu.memory_space<vmem>>, vector<1x16xf32>,
        %get3A_198 = vector.shape_cast %get3A_197 : vector<1x16xf32> to vector<16xf32>
        %mul3A_199 = arith.mulf %get3A_198, %get3A_132 : vector<16xf32>
        %add3A_200 = arith.addf %add3A_194, %mul3A_199 : vector<16xf32>
        %broadcast_in_dim3A_201 = vector.shape_cast %xor3A_18 : vector<16xi32> to vector<16x1xi32>
        %gather3A_202 = vector.shape_cast %broadcast_in_dim3A_201 : vector<16x1xi32> to vector<16xi32>
        %gather3A_203 = tpu.dynamic_gather %add3A_200[%gather3A_202] in [0] : vector<16xf32>, vector<16xi32> -> vector<16xf32>
        %add3A_204 = arith.addf %add3A_200, %gather3A_203 : vector<16xf32>
        %broadcast_in_dim3A_205 = vector.shape_cast %xor3A_21 : vector<16xi32> to vector<16x1xi32>
        %gather3A_206 = vector.shape_cast %broadcast_in_dim3A_205 : vector<16x1xi32> to vector<16xi32>
        %gather3A_207 = tpu.dynamic_gather %add3A_204[%gather3A_206] in [0] : vector<16xf32>, vector<16xi32> -> vector<16xf32>
        %add3A_208 = arith.addf %add3A_204, %gather3A_207 : vector<16xf32>
        %broadcast_in_dim3A_209 = vector.shape_cast %xor3A_24 : vector<16xi32> to vector<16x1xi32>
        %gather3A_210 = vector.shape_cast %broadcast_in_dim3A_209 : vector<16x1xi32> to vector<16xi32>
        %gather3A_211 = tpu.dynamic_gather %add3A_208[%gather3A_210] in [0] : vector<16xf32>, vector<16xi32> -> vector<16xf32>
        %add3A_212 = arith.addf %add3A_208, %gather3A_211 : vector<16xf32>
        %broadcast_in_dim3A_213 = vector.shape_cast %xor3A_27 : vector<16xi32> to vector<16x1xi32>
        %gather3A_214 = vector.shape_cast %broadcast_in_dim3A_213 : vector<16x1xi32> to vector<16xi32>
        %gather3A_215 = tpu.dynamic_gather %add3A_212[%gather3A_214] in [0] : vector<16xf32>, vector<16xi32> -> vector<16xf32>
        %add3A_216 = arith.addf %add3A_212, %gather3A_215 : vector<16xf32>
        %mul3A_217 = arith.constant 0.176776692 : f32
        %mul3A_218 = vector.broadcast %mul3A_217 : f32 to vector<16xf32>
        %mul3A_219 = arith.mulf %add3A_216, %mul3A_218 : vector<16xf32>
        %exp3A_220 = math.exp %mul3A_219 : vector<16xf32>
        %mul3A_221 = arith.mulf %exp3A, %select_n3A : vector<16xf32>
        %mul3A_222 = arith.mulf %exp3A_220, %select_n3A_16 : vector<16xf32>
        %add3A_223 = arith.addf %mul3A_221, %mul3A_222 : vector<16xf32>
        %swap3A = arith.index_cast %scan3A_128 : i32 to index
        %swap3A_224 = arith.constant 0 : index
        %swap3A_225 = tpu.vector_load %arg15[%swap3A, %swap3A_224] {strides = array<i32>} : memref<80x128xf32, #tpu.memory_space<vmem>>, vector<1x16xf32>,
        %swap3A_226 = vector.shape_cast %swap3A_225 : vector<1x16xf32> to vector<16xf32>
        %swap3A_227 = vector.shape_cast %add3A_223 : vector<16xf32> to vector<1x16xf32>
        tpu.vector_store %arg15[%swap3A, %swap3A_224], %swap3A_227 {strides = array<i32>} : memref<80x128xf32, #tpu.memory_space<vmem>>, vector<1x16xf32>,
        %get3A_228 = arith.index_cast %scan3A_128 : i32 to index
        %get3A_229 = arith.constant 64 : index
        %get3A_230 = tpu.vector_load %arg13[%get3A_228, %get3A_229] {strides = array<i32>} : memref<80x128xf32, #tpu.memory_space<vmem>>, vector<1x16xf32>,
        %get3A_231 = vector.shape_cast %get3A_230 : vector<1x16xf32> to vector<16xf32>
        %mul3A_232 = arith.mulf %exp3A, %get3A_231 : vector<16xf32>
        %swap3A_233 = arith.index_cast %scan3A_128 : i32 to index
        %swap3A_234 = arith.constant 16 : index
        %swap3A_235 = tpu.vector_load %arg15[%swap3A_233, %swap3A_234] {strides = array<i32>} : memref<80x128xf32, #tpu.memory_space<vmem>>, vector<1x16xf32>,
        %swap3A_236 = vector.shape_cast %swap3A_235 : vector<1x16xf32> to vector<16xf32>
        %swap3A_237 = vector.shape_cast %mul3A_232 : vector<16xf32> to vector<1x16xf32>
        tpu.vector_store %arg15[%swap3A_233, %swap3A_234], %swap3A_237 {strides = array<i32>} : memref<80x128xf32, #tpu.memory_space<vmem>>, vector<1x16xf32>,
        %get3A_238 = arith.index_cast %scan3A_128 : i32 to index
        %get3A_239 = arith.constant 80 : index
        %get3A_240 = tpu.vector_load %arg13[%get3A_238, %get3A_239] {strides = array<i32>} : memref<80x128xf32, #tpu.memory_space<vmem>>, vector<1x16xf32>,
        %get3A_241 = vector.shape_cast %get3A_240 : vector<1x16xf32> to vector<16xf32>
        %mul3A_242 = arith.mulf %exp3A, %get3A_241 : vector<16xf32>
        %swap3A_243 = arith.index_cast %scan3A_128 : i32 to index
        %swap3A_244 = arith.constant 32 : index
        %swap3A_245 = tpu.vector_load %arg15[%swap3A_243, %swap3A_244] {strides = array<i32>} : memref<80x128xf32, #tpu.memory_space<vmem>>, vector<1x16xf32>,
        %swap3A_246 = vector.shape_cast %swap3A_245 : vector<1x16xf32> to vector<16xf32>
        %swap3A_247 = vector.shape_cast %mul3A_242 : vector<16xf32> to vector<1x16xf32>
        tpu.vector_store %arg15[%swap3A_243, %swap3A_244], %swap3A_247 {strides = array<i32>} : memref<80x128xf32, #tpu.memory_space<vmem>>, vector<1x16xf32>,
        %get3A_248 = arith.index_cast %scan3A_128 : i32 to index
        %get3A_249 = arith.constant 96 : index
        %get3A_250 = tpu.vector_load %arg13[%get3A_248, %get3A_249] {strides = array<i32>} : memref<80x128xf32, #tpu.memory_space<vmem>>, vector<1x16xf32>,
        %get3A_251 = vector.shape_cast %get3A_250 : vector<1x16xf32> to vector<16xf32>
        %mul3A_252 = arith.mulf %exp3A_220, %get3A_251 : vector<16xf32>
        %swap3A_253 = arith.index_cast %scan3A_128 : i32 to index
        %swap3A_254 = arith.constant 48 : index
        %swap3A_255 = tpu.vector_load %arg15[%swap3A_253, %swap3A_254] {strides = array<i32>} : memref<80x128xf32, #tpu.memory_space<vmem>>, vector<1x16xf32>,
        %swap3A_256 = vector.shape_cast %swap3A_255 : vector<1x16xf32> to vector<16xf32>
        %swap3A_257 = vector.shape_cast %mul3A_252 : vector<16xf32> to vector<1x16xf32>
        tpu.vector_store %arg15[%swap3A_253, %swap3A_254], %swap3A_257 {strides = array<i32>} : memref<80x128xf32, #tpu.memory_space<vmem>>, vector<1x16xf32>,
        %get3A_258 = arith.index_cast %scan3A_128 : i32 to index
        %get3A_259 = arith.constant 112 : index
        %get3A_260 = tpu.vector_load %arg13[%get3A_258, %get3A_259] {strides = array<i32>} : memref<80x128xf32, #tpu.memory_space<vmem>>, vector<1x16xf32>,
        %get3A_261 = vector.shape_cast %get3A_260 : vector<1x16xf32> to vector<16xf32>
        %mul3A_262 = arith.mulf %exp3A_220, %get3A_261 : vector<16xf32>
        %swap3A_263 = arith.index_cast %scan3A_128 : i32 to index
        %swap3A_264 = arith.constant 64 : index
        %swap3A_265 = tpu.vector_load %arg15[%swap3A_263, %swap3A_264] {strides = array<i32>} : memref<80x128xf32, #tpu.memory_space<vmem>>, vector<1x16xf32>,
        %swap3A_266 = vector.shape_cast %swap3A_265 : vector<1x16xf32> to vector<16xf32>
        %swap3A_267 = vector.shape_cast %mul3A_262 : vector<16xf32> to vector<1x16xf32>
        tpu.vector_store %arg15[%swap3A_263, %swap3A_264], %swap3A_267 {strides = array<i32>} : memref<80x128xf32, #tpu.memory_space<vmem>>, vector<1x16xf32>,
        %mul3A_268 = arith.mulf %exp3A, %get3A_132 : vector<16xf32>
        %swap3A_269 = arith.index_cast %scan3A_128 : i32 to index
        %swap3A_270 = arith.constant 80 : index
        %swap3A_271 = tpu.vector_load %arg15[%swap3A_269, %swap3A_270] {strides = array<i32>} : memref<80x128xf32, #tpu.memory_space<vmem>>, vector<1x16xf32>,
        %swap3A_272 = vector.shape_cast %swap3A_271 : vector<1x16xf32> to vector<16xf32>
        %swap3A_273 = vector.shape_cast %mul3A_268 : vector<16xf32> to vector<1x16xf32>
        tpu.vector_store %arg15[%swap3A_269, %swap3A_270], %swap3A_273 {strides = array<i32>} : memref<80x128xf32, #tpu.memory_space<vmem>>, vector<1x16xf32>,
        %mul3A_274 = arith.mulf %exp3A_220, %get3A_132 : vector<16xf32>
        %swap3A_275 = arith.index_cast %scan3A_128 : i32 to index
        %swap3A_276 = arith.constant 96 : index
        %swap3A_277 = tpu.vector_load %arg15[%swap3A_275, %swap3A_276] {strides = array<i32>} : memref<80x128xf32, #tpu.memory_space<vmem>>, vector<1x16xf32>,
        %swap3A_278 = vector.shape_cast %swap3A_277 : vector<1x16xf32> to vector<16xf32>
        %swap3A_279 = vector.shape_cast %mul3A_274 : vector<16xf32> to vector<1x16xf32>
        tpu.vector_store %arg15[%swap3A_275, %swap3A_276], %swap3A_279 {strides = array<i32>} : memref<80x128xf32, #tpu.memory_space<vmem>>, vector<1x16xf32>,
      }
      %scan3A_127 = arith.constant 80 : i32
      "tpu.region"() ({
        %run_scoped3A = tpu.sem_alloc : memref<!tpu.dma_semaphore, #tpu.memory_space<semaphore_mem>>
        %dma_start3A_128 = arith.constant 0 : i32
        %dma_start3A_129 = arith.constant 0 : i32
        %dma_start3A_130 = tpu.memref_slice %arg17[%dma_start3A_128, %dma_start3A_129] : memref<10000x128xf32, #tpu.memory_space<vmem_shared>> -> memref<10000x128xf32, #tpu.memory_space<vmem_shared>>
        tpu.enqueue_indirect_dma source(%arg15 : memref<80x128xf32, #tpu.memory_space<vmem>>) target(%dma_start3A_130 : memref<10000x128xf32, #tpu.memory_space<vmem_shared>>) offsets(%arg11 : memref<80xi32, #tpu.memory_space<vmem>>) semaphore(%run_scoped3A : memref<!tpu.dma_semaphore, #tpu.memory_space<semaphore_mem>>) {add = true}
        %dma_wait3A_131 = arith.constant 0 : i32
        %dma_wait3A_132 = arith.constant 0 : i32
        %dma_wait3A_133 = tpu.memref_slice %arg17[%dma_wait3A_131, %dma_wait3A_132] : memref<10000x128xf32, #tpu.memory_space<vmem_shared>> -> memref<10000x128xf32, #tpu.memory_space<vmem_shared>>
        tpu.wait_indirect_dma semaphore(%run_scoped3A : memref<!tpu.dma_semaphore, #tpu.memory_space<semaphore_mem>>) src(%arg15 : memref<80x128xf32, #tpu.memory_space<vmem>>) dst(%dma_wait3A_133 : memref<10000x128xf32, #tpu.memory_space<vmem_shared>>)
        tpu.yield
      }) : () -> ()
    }
    %scan3A_92 = arith.constant 125 : i32
    %barrier3A_93 = arith.constant 0 : index
    tpu.barrier barrier_id(%barrier3A_93)
    %scan3A_94 = arith.constant 0 : i32
    %scan3A_95 = arith.constant 0 : i32
    %scan3A_96 = arith.constant 13 : i32
    %scan3A_97 = arith.addi %scan3A_95, %scan3A_96 : i32
    %scan3A_98 = arith.constant 1 : i32
    scf.for %scan3A_106 = %scan3A_95 to %scan3A_97 step %scan3A_98  : i32 {
      %mul3A_107 = arith.constant 48 : i32
      %mul3A_108 = arith.muli %scan3A_106, %mul3A_107 : i32
      %add3A_109 = arith.addi %mul3A_0, %mul3A_108 : i32
      "tpu.region"() ({
        %run_scoped3A_113 = tpu.sem_alloc : memref<!tpu.dma_semaphore, #tpu.memory_space<semaphore_mem>>
        %dma_start3A = arith.constant 0 : i32
        %dma_start3A_114 = arith.constant 0 : i32
        %dma_start3A_115 = tpu.memref_slice %arg15[%dma_start3A, %dma_start3A_114] : memref<80x128xf32, #tpu.memory_space<vmem>> -> memref<48x128xf32, #tpu.memory_space<vmem>>
        %dma_start3A_116 = arith.constant 0 : i32
        %dma_start3A_117 = tpu.memref_slice %arg17[%add3A_109, %dma_start3A_116] : memref<10000x128xf32, #tpu.memory_space<vmem_shared>> -> memref<48x128xf32, #tpu.memory_space<vmem_shared>>
        %dma_start3A_118 = arith.constant 0 : i32
        %dma_start3A_119 = arith.constant 0 : i32
        %dma_start3A_120 = tpu.memref_slice %arg15[%dma_start3A_118, %dma_start3A_119] : memref<80x128xf32, #tpu.memory_space<vmem>> -> memref<48x128xf32, #tpu.memory_space<vmem>>
        %dma_start3A_121 = arith.constant 0 : i32
        %dma_start3A_122 = tpu.memref_slice %arg17[%add3A_109, %dma_start3A_121] : memref<10000x128xf32, #tpu.memory_space<vmem_shared>> -> memref<48x128xf32, #tpu.memory_space<vmem_shared>>
        tpu.enqueue_dma source(%dma_start3A_122 : memref<48x128xf32, #tpu.memory_space<vmem_shared>>) target(%dma_start3A_120 : memref<48x128xf32, #tpu.memory_space<vmem>>) target_semaphore(%run_scoped3A_113 : memref<!tpu.dma_semaphore, #tpu.memory_space<semaphore_mem>>)
        %dma_wait3A = arith.constant 0 : i32
        %dma_wait3A_123 = arith.constant 0 : i32
        %dma_wait3A_124 = tpu.memref_slice %arg15[%dma_wait3A, %dma_wait3A_123] : memref<80x128xf32, #tpu.memory_space<vmem>> -> memref<48x128xf32, #tpu.memory_space<vmem>>
        %dma_wait3A_125 = arith.constant 0 : i32
        %dma_wait3A_126 = tpu.memref_slice %arg17[%add3A_109, %dma_wait3A_125] : memref<10000x128xf32, #tpu.memory_space<vmem_shared>> -> memref<48x128xf32, #tpu.memory_space<vmem_shared>>
        %dma_wait3A_127 = arith.constant 0 : i32
        %dma_wait3A_128 = arith.constant 0 : i32
        %dma_wait3A_129 = tpu.memref_slice %arg15[%dma_wait3A_127, %dma_wait3A_128] : memref<80x128xf32, #tpu.memory_space<vmem>> -> memref<48x128xf32, #tpu.memory_space<vmem>>
        %dma_wait3A_130 = arith.constant 0 : i32
        %dma_wait3A_131 = tpu.memref_slice %arg17[%add3A_109, %dma_wait3A_130] : memref<10000x128xf32, #tpu.memory_space<vmem_shared>> -> memref<48x128xf32, #tpu.memory_space<vmem_shared>>
        tpu.wait_dma2 semaphore(%run_scoped3A_113 : memref<!tpu.dma_semaphore, #tpu.memory_space<semaphore_mem>>) src(%dma_wait3A_131 : memref<48x128xf32, #tpu.memory_space<vmem_shared>>) dst(%dma_wait3A_129 : memref<48x128xf32, #tpu.memory_space<vmem>>)
        tpu.yield
      }) : () -> ()
      %mul3A_110 = arith.constant 48 : i32
      %mul3A_111 = arith.muli %scan3A_106, %mul3A_110 : i32
      %add3A_112 = arith.addi %mul3A_0, %mul3A_111 : i32
      %run_scoped3A = arith.constant 1 : i32
      "tpu.region"() ({
        %run_scoped3A_113 = tpu.sem_alloc : memref<!tpu.dma_semaphore, #tpu.memory_space<semaphore_mem>>
        %dma_start3A = arith.constant 0 : i32
        %dma_start3A_114 = arith.constant 0 : i32
        %dma_start3A_115 = tpu.memref_slice %arg15[%dma_start3A, %dma_start3A_114] : memref<80x128xf32, #tpu.memory_space<vmem>> -> memref<48x128xf32, #tpu.memory_space<vmem>>
        %dma_start3A_116 = arith.constant 0 : i32
        %dma_start3A_117 = tpu.memref_slice %arg9[%run_scoped3A, %arg0, %add3A_112, %dma_start3A_116] : memref<2x2x10000x128xf32, #tpu.memory_space<hbm>> -> memref<1x1x48x128xf32, #tpu.memory_space<hbm>>
        %dma_start3A_118 = tpu.memref_squeeze %dma_start3A_117 : memref<1x1x48x128xf32, #tpu.memory_space<hbm>> -> memref<48x128xf32, #tpu.memory_space<hbm>>
        %dma_start3A_119 = arith.constant 0 : i32
        %dma_start3A_120 = tpu.memref_slice %arg9[%run_scoped3A, %arg0, %add3A_112, %dma_start3A_119] : memref<2x2x10000x128xf32, #tpu.memory_space<hbm>> -> memref<1x1x48x128xf32, #tpu.memory_space<hbm>>
        %dma_start3A_121 = tpu.memref_squeeze %dma_start3A_120 : memref<1x1x48x128xf32, #tpu.memory_space<hbm>> -> memref<48x128xf32, #tpu.memory_space<hbm>>
        %dma_start3A_122 = arith.constant 0 : i32
        %dma_start3A_123 = arith.constant 0 : i32
        %dma_start3A_124 = tpu.memref_slice %arg15[%dma_start3A_122, %dma_start3A_123] : memref<80x128xf32, #tpu.memory_space<vmem>> -> memref<48x128xf32, #tpu.memory_space<vmem>>
        tpu.enqueue_dma source(%dma_start3A_124 : memref<48x128xf32, #tpu.memory_space<vmem>>) target(%dma_start3A_121 : memref<48x128xf32, #tpu.memory_space<hbm>>) target_semaphore(%run_scoped3A_113 : memref<!tpu.dma_semaphore, #tpu.memory_space<semaphore_mem>>)
        %dma_wait3A = arith.constant 0 : i32
        %dma_wait3A_125 = arith.constant 0 : i32
        %dma_wait3A_126 = tpu.memref_slice %arg15[%dma_wait3A, %dma_wait3A_125] : memref<80x128xf32, #tpu.memory_space<vmem>> -> memref<48x128xf32, #tpu.memory_space<vmem>>
        %dma_wait3A_127 = arith.constant 0 : i32
        %dma_wait3A_128 = tpu.memref_slice %arg9[%run_scoped3A, %arg0, %add3A_112, %dma_wait3A_127] : memref<2x2x10000x128xf32, #tpu.memory_space<hbm>> -> memref<1x1x48x128xf32, #tpu.memory_space<hbm>>
        %dma_wait3A_129 = tpu.memref_squeeze %dma_wait3A_128 : memref<1x1x48x128xf32, #tpu.memory_space<hbm>> -> memref<48x128xf32, #tpu.memory_space<hbm>>
        %dma_wait3A_130 = arith.constant 0 : i32
        %dma_wait3A_131 = tpu.memref_slice %arg9[%run_scoped3A, %arg0, %add3A_112, %dma_wait3A_130] : memref<2x2x10000x128xf32, #tpu.memory_space<hbm>> -> memref<1x1x48x128xf32, #tpu.memory_space<hbm>>
        %dma_wait3A_132 = tpu.memref_squeeze %dma_wait3A_131 : memref<1x1x48x128xf32, #tpu.memory_space<hbm>> -> memref<48x128xf32, #tpu.memory_space<hbm>>
        %dma_wait3A_133 = arith.constant 0 : i32
        %dma_wait3A_134 = arith.constant 0 : i32
        %dma_wait3A_135 = tpu.memref_slice %arg15[%dma_wait3A_133, %dma_wait3A_134] : memref<80x128xf32, #tpu.memory_space<vmem>> -> memref<48x128xf32, #tpu.memory_space<vmem>>
        tpu.wait_dma2 semaphore(%run_scoped3A_113 : memref<!tpu.dma_semaphore, #tpu.memory_space<semaphore_mem>>) src(%dma_wait3A_135 : memref<48x128xf32, #tpu.memory_space<vmem>>) dst(%dma_wait3A_132 : memref<48x128xf32, #tpu.memory_space<hbm>>)
        tpu.yield
      }) : () -> ()
    }
    %scan3A_99 = arith.constant 13 : i32
    %eq3A_100 = arith.constant 15 : i32
    %eq3A_101 = arith.cmpi eq, %arg1, %eq3A_100 : i32
    %convert_element_type3A_102 = arith.extui %eq3A_101 : i1 to i32
    %cond3A_103 = arith.constant 0 : i32
    %cond3A_104 = arith.cmpi ne, %convert_element_type3A_102, %cond3A_103 : i32
    scf.if %cond3A_104 {
      "tpu.region"() ({
        %run_scoped3A_106 = tpu.sem_alloc : memref<!tpu.dma_semaphore, #tpu.memory_space<semaphore_mem>>
        %dma_start3A = arith.constant 0 : i32
        %dma_start3A_107 = arith.constant 0 : i32
        %dma_start3A_108 = tpu.memref_slice %arg15[%dma_start3A, %dma_start3A_107] : memref<80x128xf32, #tpu.memory_space<vmem>> -> memref<16x128xf32, #tpu.memory_space<vmem>>
        %dma_start3A_109 = arith.constant 9984 : i32
        %dma_start3A_110 = arith.constant 0 : i32
        %dma_start3A_111 = tpu.memref_slice %arg17[%dma_start3A_109, %dma_start3A_110] : memref<10000x128xf32, #tpu.memory_space<vmem_shared>> -> memref<16x128xf32, #tpu.memory_space<vmem_shared>>
        %dma_start3A_112 = arith.constant 0 : i32
        %dma_start3A_113 = arith.constant 0 : i32
        %dma_start3A_114 = tpu.memref_slice %arg15[%dma_start3A_112, %dma_start3A_113] : memref<80x128xf32, #tpu.memory_space<vmem>> -> memref<16x128xf32, #tpu.memory_space<vmem>>
        %dma_start3A_115 = arith.constant 9984 : i32
        %dma_start3A_116 = arith.constant 0 : i32
        %dma_start3A_117 = tpu.memref_slice %arg17[%dma_start3A_115, %dma_start3A_116] : memref<10000x128xf32, #tpu.memory_space<vmem_shared>> -> memref<16x128xf32, #tpu.memory_space<vmem_shared>>
        tpu.enqueue_dma source(%dma_start3A_117 : memref<16x128xf32, #tpu.memory_space<vmem_shared>>) target(%dma_start3A_114 : memref<16x128xf32, #tpu.memory_space<vmem>>) target_semaphore(%run_scoped3A_106 : memref<!tpu.dma_semaphore, #tpu.memory_space<semaphore_mem>>)
        %dma_wait3A = arith.constant 0 : i32
        %dma_wait3A_118 = arith.constant 0 : i32
        %dma_wait3A_119 = tpu.memref_slice %arg15[%dma_wait3A, %dma_wait3A_118] : memref<80x128xf32, #tpu.memory_space<vmem>> -> memref<16x128xf32, #tpu.memory_space<vmem>>
        %dma_wait3A_120 = arith.constant 9984 : i32
        %dma_wait3A_121 = arith.constant 0 : i32
        %dma_wait3A_122 = tpu.memref_slice %arg17[%dma_wait3A_120, %dma_wait3A_121] : memref<10000x128xf32, #tpu.memory_space<vmem_shared>> -> memref<16x128xf32, #tpu.memory_space<vmem_shared>>
        %dma_wait3A_123 = arith.constant 0 : i32
        %dma_wait3A_124 = arith.constant 0 : i32
        %dma_wait3A_125 = tpu.memref_slice %arg15[%dma_wait3A_123, %dma_wait3A_124] : memref<80x128xf32, #tpu.memory_space<vmem>> -> memref<16x128xf32, #tpu.memory_space<vmem>>
        %dma_wait3A_126 = arith.constant 9984 : i32
        %dma_wait3A_127 = arith.constant 0 : i32
        %dma_wait3A_128 = tpu.memref_slice %arg17[%dma_wait3A_126, %dma_wait3A_127] : memref<10000x128xf32, #tpu.memory_space<vmem_shared>> -> memref<16x128xf32, #tpu.memory_space<vmem_shared>>
        tpu.wait_dma2 semaphore(%run_scoped3A_106 : memref<!tpu.dma_semaphore, #tpu.memory_space<semaphore_mem>>) src(%dma_wait3A_128 : memref<16x128xf32, #tpu.memory_space<vmem_shared>>) dst(%dma_wait3A_125 : memref<16x128xf32, #tpu.memory_space<vmem>>)
        tpu.yield
      }) : () -> ()
      %run_scoped3A = arith.constant 1 : i32
      "tpu.region"() ({
        %run_scoped3A_106 = tpu.sem_alloc : memref<!tpu.dma_semaphore, #tpu.memory_space<semaphore_mem>>
        %dma_start3A = arith.constant 0 : i32
        %dma_start3A_107 = arith.constant 0 : i32
        %dma_start3A_108 = tpu.memref_slice %arg15[%dma_start3A, %dma_start3A_107] : memref<80x128xf32, #tpu.memory_space<vmem>> -> memref<16x128xf32, #tpu.memory_space<vmem>>
        %dma_start3A_109 = arith.constant 9984 : i32
        %dma_start3A_110 = arith.constant 0 : i32
        %dma_start3A_111 = tpu.memref_slice %arg9[%run_scoped3A, %arg0, %dma_start3A_109, %dma_start3A_110] : memref<2x2x10000x128xf32, #tpu.memory_space<hbm>> -> memref<1x1x16x128xf32, #tpu.memory_space<hbm>>
        %dma_start3A_112 = tpu.memref_squeeze %dma_start3A_111 : memref<1x1x16x128xf32, #tpu.memory_space<hbm>> -> memref<16x128xf32, #tpu.memory_space<hbm>>
        %dma_start3A_113 = arith.constant 9984 : i32
        %dma_start3A_114 = arith.constant 0 : i32
        %dma_start3A_115 = tpu.memref_slice %arg9[%run_scoped3A, %arg0, %dma_start3A_113, %dma_start3A_114] : memref<2x2x10000x128xf32, #tpu.memory_space<hbm>> -> memref<1x1x16x128xf32, #tpu.memory_space<hbm>>
        %dma_start3A_116 = tpu.memref_squeeze %dma_start3A_115 : memref<1x1x16x128xf32, #tpu.memory_space<hbm>> -> memref<16x128xf32, #tpu.memory_space<hbm>>
        %dma_start3A_117 = arith.constant 0 : i32
        %dma_start3A_118 = arith.constant 0 : i32
        %dma_start3A_119 = tpu.memref_slice %arg15[%dma_start3A_117, %dma_start3A_118] : memref<80x128xf32, #tpu.memory_space<vmem>> -> memref<16x128xf32, #tpu.memory_space<vmem>>
        tpu.enqueue_dma source(%dma_start3A_119 : memref<16x128xf32, #tpu.memory_space<vmem>>) target(%dma_start3A_116 : memref<16x128xf32, #tpu.memory_space<hbm>>) target_semaphore(%run_scoped3A_106 : memref<!tpu.dma_semaphore, #tpu.memory_space<semaphore_mem>>)
        %dma_wait3A = arith.constant 0 : i32
        %dma_wait3A_120 = arith.constant 0 : i32
        %dma_wait3A_121 = tpu.memref_slice %arg15[%dma_wait3A, %dma_wait3A_120] : memref<80x128xf32, #tpu.memory_space<vmem>> -> memref<16x128xf32, #tpu.memory_space<vmem>>
        %dma_wait3A_122 = arith.constant 9984 : i32
        %dma_wait3A_123 = arith.constant 0 : i32
        %dma_wait3A_124 = tpu.memref_slice %arg9[%run_scoped3A, %arg0, %dma_wait3A_122, %dma_wait3A_123] : memref<2x2x10000x128xf32, #tpu.memory_space<hbm>> -> memref<1x1x16x128xf32, #tpu.memory_space<hbm>>
        %dma_wait3A_125 = tpu.memref_squeeze %dma_wait3A_124 : memref<1x1x16x128xf32, #tpu.memory_space<hbm>> -> memref<16x128xf32, #tpu.memory_space<hbm>>
        %dma_wait3A_126 = arith.constant 9984 : i32
        %dma_wait3A_127 = arith.constant 0 : i32
        %dma_wait3A_128 = tpu.memref_slice %arg9[%run_scoped3A, %arg0, %dma_wait3A_126, %dma_wait3A_127] : memref<2x2x10000x128xf32, #tpu.memory_space<hbm>> -> memref<1x1x16x128xf32, #tpu.memory_space<hbm>>
        %dma_wait3A_129 = tpu.memref_squeeze %dma_wait3A_128 : memref<1x1x16x128xf32, #tpu.memory_space<hbm>> -> memref<16x128xf32, #tpu.memory_space<hbm>>
        %dma_wait3A_130 = arith.constant 0 : i32
        %dma_wait3A_131 = arith.constant 0 : i32
        %dma_wait3A_132 = tpu.memref_slice %arg15[%dma_wait3A_130, %dma_wait3A_131] : memref<80x128xf32, #tpu.memory_space<vmem>> -> memref<16x128xf32, #tpu.memory_space<vmem>>
        tpu.wait_dma2 semaphore(%run_scoped3A_106 : memref<!tpu.dma_semaphore, #tpu.memory_space<semaphore_mem>>) src(%dma_wait3A_132 : memref<16x128xf32, #tpu.memory_space<vmem>>) dst(%dma_wait3A_129 : memref<16x128xf32, #tpu.memory_space<hbm>>)
        tpu.yield
      }) : () -> ()
    } else {
    }
    %barrier3A_105 = arith.constant 0 : index
    tpu.barrier barrier_id(%barrier3A_105)
    return
  }
}

</mosaic_0001>

<sc_bundles>
// kernel: _edge_pass.3.cloned.1.call-start
scs
__scs_entry_jumppad:
0x0: {  	(pc) =	sbr.rel $0x88, $3  }
0x1: {  	(tag) =	ssettag $0x0;
	lr =	simm.s32 $0x1  }
0x2: {  	[smem:$0x3F9A] =	sst lr;
	_ =	strace $0xD0000000  }
0x3: {  	_ = 	snop  }
0x4: {  	_ = 	snop  }
0x5: {  	_ = 	snop  }
0x6: {  	_ = 	snop  }
0x7: {  	_ = 	snop  }
__scs_overlays_trampoline_lowered:
0x8: {  	[smem:$0x3FA9] =	sst s0  }
0x9: {  	[smem:$0x3FAA] =	sst s1  }
0xa: {  	[smem:$0x3FAB] =	sst s2  }
0xb: {  	[smem:$0x3FAC] =	sst s3  }
0xc: {  	[smem:$0x3FAD] =	sst s4  }
0xd: {  	[smem:$0x3FAE] =	sst s5  }
0xe: {  	[smem:$0x3FAF] =	sst s6  }
0xf: {  	[smem:$0x3FB0] =	sst s7  }
0x10: {  	[smem:$0x3FB1] =	sst s8  }
0x11: {  	[smem:$0x3FB2] =	sst s9;
	s0 =	simm.s32 @!p0 $0x0  }
0x12: {  	s1 =	sld [smem:$0x3F98];
	s0 =	simm.s32 @p0 $0x1  }
0x13: {  	[smem:$0x3FB3] =	sst s0;
	s0 =	simm.s32 @!p1 $0x0  }
0x14: {  	s2 =	sld [smem:$0x3F97];
	s0 =	simm.s32 @p1 $0x1  }
0x15: {  	[smem:$0x3FB4] =	sst s0;
	s0 =	simm.s32 @!p2 $0x0  }
0x16: {  	s3 =	sld [smem:$0x3FDB];
	s0 =	simm.s32 @p2 $0x1  }
0x17: {  	s4 =	simm.s32 $0x1BF5;
	[smem:$0x3FB6] =	sst s0  }
0x18: {  	s0 =	sld [smem:$0x3F99];
	_ =	swait.ge [sflag:s4], $0x0  }
0x19: {  	s7 =	sld [smem:$0x3F9A]  }
0x1a: {  	s8 =	sadd.s32 $0xFFFFE003, lr  }
0x1b: {  	s9 =	sadd.s32 $0xFFFFFEF7, lr;
	s5 =	simm.s32 $0xFFFFFFFF;
	p2 =	slt.u32 s8, $0xFFFFF086  }
0x1c: {  	p1 =	slt.u32 s9, $0xF7A;
	s5 =	simm.s32 @!p2 $0x0  }
0x1d: {  	s5 =	simm.s32 @p1 $0x1;
	p0 =	seq.s32 s7, s2  }
0x1e: {  	s7 =	smul.u32 @!p0 $0xF7A, s2;
	p2 =	seq.s32 @!p0 s5, $0x0  }
0x1f: {  	s9 =	smul.u32 $0xF7A, s1;
	s8 =	simm.s32 @!p0 $0x1BF5;
	p2 =	por !p2, p0  }
0x20: {  	[sflag:s8] =	ssyncset.s32 @!p0 $0xFFFFF086;
	s6 =	sadd.s32 @!p0 s3, s7;
	s7 =	simm.s32 @!p0 $0x108  }
0x21: {  	s3 =	sadd.s32 s3, s9;
	s6 =	sadd.s32 @!p0 $0x88, s6;
	s7 =	simm.s32 @p2 $0x1082  }
0x22: {  	[simem:s7], [sflag:s8] =	dma.local @!p0 [hbm:s6], $0xF7A  }
0x23: {  	s9 =	sor.u32 $0xD0000000, s2;
	s6 =	simm.s32 $0x108;
	_ =	swait.ge @!p0 [sflag:s8], $0x0  }
0x24: {  	s3 =	sadd.s32 $0x88, s3;
	s6 =	simm.s32 @!p1 $0x1082;
	[sflag:s4] =	ssyncset.s32 $0xFFFFF086  }
0x25: {  	[simem:s6], [sflag:s4] =	dma.local [hbm:s3], $0xF7A  }
0x26: {  	[smem:$0x3F9A] =	sst s1;
	(tag) =	ssettag s2;
	_ =	strace s9  }
0x27: {  	s1 =	sld [smem:$0x3FAA]  }
0x28: {  	s2 =	sld [smem:$0x3FAB]  }
0x29: {  	s4 =	sld [smem:$0x3FAD]  }
0x2a: {  	p0 =	seq.s32 s5, $0x0;
	s5 =	sld [smem:$0x3FAE]  }
0x2b: {  	s6 =	sld [smem:$0x3FAF]  }
0x2c: {  	s7 =	sld [smem:$0x3FB0]  }
0x2d: {  	s3 =	simm.s32 $0x108;
	s8 =	sld [smem:$0x3FB1]  }
0x2e: {  	s3 =	simm.s32 @!p0 $0x1082;
	s9 =	sld [smem:$0x3FB2]  }
0x2f: {  	lr =	sadd.s32 s0, s3;
	s0 =	sld [smem:$0x3FA9]  }
0x30: {  	s3 =	sld [smem:$0x3FAC]  }
0x31: {  	[smem:$0x3FB5] =	sst s10  }
0x32: {  	s10 =	sld [smem:$0x3FB3];
	_ =	sdelay $0x3  }
0x33: {  	p0 =	seq.s32 s10, $0x1;
	s10 =	sld [smem:$0x3FB5];
	_ =	sdelay $0x3  }
0x34: {  	[smem:$0x3FB5] =	sst s10  }
0x35: {  	s10 =	sld [smem:$0x3FB4];
	_ =	sdelay $0x3  }
0x36: {  	p1 =	seq.s32 s10, $0x1;
	s10 =	sld [smem:$0x3FB5];
	_ =	sdelay $0x3  }
0x37: {  	[smem:$0x3FB5] =	sst s10  }
0x38: {  	s10 =	sld [smem:$0x3FB6]  }
0x39: {  	_ = 	snop;
	(pc) =	sbr.ind lr, $3  }
0x3a: {  	_ = 	snop  }
0x3b: {  	_ = 	snop  }
0x3c: {  	p2 =	seq.s32 s10, $0x1;
	s10 =	sld [smem:$0x3FB5]  }
0x3d: {  	_ =	shalt  }
0x3e: {  	_ =	shalt  }
0x3f: {  	_ =	shalt  }
0x40: {  	_ =	shalt  }
0x41: {  	_ =	shalt  }
0x42: {  	_ =	shalt  }
0x43: {  	_ =	shalt  }
0x44: {  	_ =	shalt  }
0x45: {  	_ =	shalt  }
0x46: {  	_ =	shalt  }
0x47: {  	_ =	shalt  }
0x48: {  	_ =	shalt  }
0x49: {  	_ =	shalt  }
0x4a: {  	_ =	shalt  }
0x4b: {  	_ =	shalt  }
0x4c: {  	_ =	shalt  }
0x4d: {  	_ =	shalt  }
0x4e: {  	_ =	shalt  }
0x4f: {  	_ =	shalt  }
0x50: {  	_ =	shalt  }
0x51: {  	_ =	shalt  }
0x52: {  	_ =	shalt  }
0x53: {  	_ =	shalt  }
0x54: {  	_ =	shalt  }
0x55: {  	_ =	shalt  }
0x56: {  	_ =	shalt  }
0x57: {  	_ =	shalt  }
0x58: {  	_ =	shalt  }
0x59: {  	_ =	shalt  }
0x5a: {  	_ =	shalt  }
0x5b: {  	_ =	shalt  }
0x5c: {  	_ =	shalt  }
0x5d: {  	_ =	shalt  }
0x5e: {  	_ =	shalt  }
0x5f: {  	_ =	shalt  }
0x60: {  	_ =	shalt  }
0x61: {  	_ =	shalt  }
0x62: {  	_ =	shalt  }
0x63: {  	_ =	shalt  }
0x64: {  	_ =	shalt  }
0x65: {  	_ =	shalt  }
0x66: {  	_ =	shalt  }
0x67: {  	_ =	shalt  }
0x68: {  	_ =	shalt  }
0x69: {  	_ =	shalt  }
0x6a: {  	_ =	shalt  }
0x6b: {  	_ =	shalt  }
0x6c: {  	_ =	shalt  }
0x6d: {  	_ =	shalt  }
0x6e: {  	_ =	shalt  }
0x6f: {  	_ =	shalt  }
0x70: {  	_ =	shalt  }
0x71: {  	_ =	shalt  }
0x72: {  	_ =	shalt  }
0x73: {  	_ =	shalt  }
0x74: {  	_ =	shalt  }
0x75: {  	_ =	shalt  }
0x76: {  	_ =	shalt  }
0x77: {  	_ =	shalt  }
0x78: {  	_ =	shalt  }
0x79: {  	_ =	shalt  }
0x7a: {  	_ =	shalt  }
0x7b: {  	_ =	shalt  }
0x7c: {  	_ =	shalt  }
0x7d: {  	_ =	shalt  }
0x7e: {  	_ =	shalt  }
0x7f: {  	_ =	shalt  }
0x80: {  	_ =	shalt  }
0x81: {  	_ =	shalt  }
0x82: {  	_ =	shalt  }
0x83: {  	_ =	shalt  }
0x84: {  	_ =	shalt  }
0x85: {  	_ =	shalt  }
0x86: {  	_ =	shalt  }
0x87: {  	_ =	shalt  }
.Lfunc_end0:
.L_simem_size_0:
called_computation_lowered:
.L_overlay_start_0:
0x88: {  	s2 =	sld [smem:$0x3FD9]  }
0x89: {  	s3 =	sld [smem:$0x3FFE];
	_ =	sdelay $0x1  }
0x8a: {  	s1 =	srdreg.scid  }
0x8b: {  	s0 =	sand.u32 $0x1, s1  }
0x8c: {  	s18 =	sshll.u32 s0, $0xA;
	s2 =	sadd.s32 s3, s2  }
0x8d: {  	s2 =	sadd.s32 s2, s18  }
0x8e: {  	[smem:$0x3FC1] =	sst s2  }
0x8f: {  	_ = 	snop  }
0x90: {  	s2 =	sld [smem:$0x3FC9]  }
0x91: {  	s19 =	sld [smem:$0x3FC8]  }
0x92: {  	s4 =	sld [smem:$0x3FC7]  }
0x93: {  	s5 =	sld [smem:$0x3FC6]  }
0x94: {  	s6 =	sld [smem:$0x3FC5]  }
0x95: {  	s7 =	sld [smem:$0x3FC4]  }
0x96: {  	s8 =	sld [smem:$0x3FC3]  }
0x97: {  	s9 =	sld [smem:$0x3FD0];
	(tm) =	ssettm $0x1  }
0x98: {  	s10 =	sld [smem:$0x3FFB];
	_ =	sdelay $0x3  }
0x99: {  	_ =	strace s10  }
0x9a: {  	s10 =	sld [smem:$0x3FFC];
	_ =	sdelay $0x3  }
0x9b: {  	_ =	strace s10  }
0x9c: {  	s10 =	sld [smem:$0x3FFD];
	_ =	sdelay $0x3  }
0x9d: {  	_ =	strace s10  }
0x9e: {  	_ =	strace $0x8FFFFFFF  }
0x9f: {  	s20 =	sld [smem:$0x3FDB];
	_ =	sdelay $0x1  }
0xa0: {  	s11 =	simm.s32 $_scs_section_size  }
0xa1: {  	s12 =	simm.s32 $_size__tile_overlayer_lowered;
	s13 =	simm.s32 $_tile_overlayer_lowered  }
0xa2: {  	s23 =	simm.s32 $0x1BFF;
	s22 =	sshll.u32 s13, $0x1;
	s10 =	sadd.s32 s11, s20  }
0xa3: {  	s14 =	simm.s32 $0x0;
	s21 =	sshll.u32 s12, $0x1;
	s12 =	sadd.s32 s22, s10  }
0xa4: {  	[timem:s14], [sflag:s23] =	dma.local [hbm:s12], s21  }
0xa5: {  	_ =	swait.ge [sflag:s23], s21  }
0xa6: {  	s11 =	ssub.s32 $0x0, s21;
	[sflag:s23] =	ssyncset.done $0x0  }
0xa7: {  	[sflag:s23] =	ssyncadd.s32 s11;
	_ =	sdelay $0x1  }
0xa8: {  	s24 =	simm.s32 $0x1B8B  }
0xa9: {  	_ =	swait.ge [sflag:s24], $0x1  }
0xaa: {  	[sflag:s24] =	ssyncset.done $0x0  }
0xab: {  	s25 =	simm.s32 $0x1B8E;
	[sflag:s24] =	ssyncadd.s32 $0xFFFFFFFF  }
0xac: {  	s26 =	simm.s32 $execute0_lowered;
	[smem:$0x3FD2] =	sst s25  }
0xad: {  	s11 =	sshll.u32 s26, $0x1;
	_ =	strace $0x80000046;
	[dreg:$0x1] =	wrdreg $0xFFFFFFFF  }
0xae: {  	s28 =	simm.s32 $_size_execute0_lowered;
	s10 =	sadd.s32 s10, s11;
	[dreg:$0x0] =	wrdreg $0x0  }
0xaf: {  	s11 =	sshll.u32 s28, $0x1;
	[dreg:$0x2] =	wrdreg s10  }
0xb0: {  	[dreg:$0x3] =	wrdreg s11  }
0xb1: {  	[dreg:$0x4] =	wrdreg $0xC0  }
0xb2: {  	_ =	task [dreg:s14], $0x5FFFF  }
0xb3: {  	[dreg:$0x1] =	wrdreg $0xFFFFFFFF  }
0xb4: {  	[dreg:$0x0] =	wrdreg $0x60  }
0xb5: {  	[dreg:$0x2] =	wrdreg s2  }
0xb6: {  	[dreg:$0x3] =	wrdreg s19  }
0xb7: {  	[dreg:$0x4] =	wrdreg s4  }
0xb8: {  	[dreg:$0x5] =	wrdreg s5  }
0xb9: {  	[dreg:$0x6] =	wrdreg s6  }
0xba: {  	[dreg:$0x7] =	wrdreg s7  }
0xbb: {  	[dreg:$0x8] =	wrdreg s8  }
0xbc: {  	[dreg:$0x9] =	wrdreg s9  }
0xbd: {  	[dreg:$0xa] =	wrdreg $0x96000  }
0xbe: {  	[dreg:$0xb] =	wrdreg $0x9  }
0xbf: {  	_ =	task.clear_ibuf [dreg:s14], $0xCFFFF;
	_ =	strace $0x90000046  }
0xc0: {  	s29 =	simm.s32 $0x9;
	_ =	strace $0x80000048  }
0xc1: {  	_ =	swait.ge [sflag:s29], $0x1  }
0xc2: {  	[sflag:s29] =	ssyncadd.s32 $0xFFFFFFFF  }
0xc3: {  	_ =	strace $0x90000048  }
0xc4: {  	_ =	sfence  }
0xc5: {  	s30 =	sld [smem:$0x0];
	_ =	sdelay $0x2  }
0xc6: {  	s31 =	sshll.u32 s1, $0xD;
	s1 =	sshrl.u32 s1, $0x2  }
0xc7: {  	s3 =	sand.u32 $0x4000, s31;
	s1 =	sadd.s32 s1, s30  }
0xc8: {  	s0 =	sor.u32 s3, s0;
	s1 =	sshll.u32 s1, $0x11  }
0xc9: {  	s0 =	sor.u32 s1, s0  }
0xca: {  	s0 =	sadd.s32 $0x8F2B, s0  }
0xcb: {  	[sflag:s0] =	ssyncadd.remote.s32 $0x1  }
0xcc: {  	_ =	sfence.sel $0xFFFF  }
0xcd: {  	[dreg:$0x0] =	wrdreg $0xFFFFFFFF;
	(pc) =	sbr.abs _section_cstart, $3  }
0xce: {  	[dreg:$0x1] =	wrdreg $0xFFFFFFFF  }
0xcf: {  	_ =	task.clear_ibuf [dreg:s14], $0x2FFFF;
	_ =	strace $0x9FFFFFFF  }
0xd0: {  	(tm) =	ssettm $0x7FFFFFFF  }
0xd1: {  	_ =	shalt  }
tec
execute0_lowered:
.L_overlay_start_1:
0x0: {  	(tag) =	ssettag $0x1  }
0x1: {  	s0 =	rddreg [dreg:$0x0]  }
0x2: {  	s1 =	rddreg [dreg:$0x1]  }
0x3: {  	s2 =	rddreg [dreg:$0x2]  }
0x4: {  	s4 =	rddreg [dreg:$0x3]  }
0x5: {  	s5 =	rddreg [dreg:$0x4]  }
0x6: {  	s6 =	rddreg [dreg:$0x5]  }
0x7: {  	s7 =	rddreg [dreg:$0x6]  }
0x8: {  	s3 =	rddreg [dreg:$0x7]  }
0x9: {  	s8 =	rddreg [dreg:$0x8];
	s17 =	stileid.u32  }
0xa: {  	s10 =	srdreg.scid;
	s15 =	smul.u32 $0x4E000, s17  }
0xb: {  	s9 =	simm.s32 $0x0;
	s10 =	sand.u32 $0x1, s10;
	s28 =	smul.u32 $0x13800, s17  }
0xc: {  	[smem:$0x7FF] =	sst s9;
	p0 =	sne.s32 s17, $0xF;
	s13 =	smul.u32 $0x138800, s10  }
0xd: {  	s14 =	ssub.s32 $0x2, s10;
	s10 =	sshll.u32 s10, $0x4;
	s15 =	sshrl.u32 s15, $0x2  }
0xe: {  	_ =	strace $0x80000047;
	s10 =	sor.u32 s17, s10;
	s15 =	sadd.s32 s15, s8  }
0xf: {  	s16 =	sshrl.u32 s14, $0x1;
	s17 =	simm.s32 $0x1;
	s29 =	sadd.s32 $0x1800, s15  }
0x10: {  	s12 =	sshrl.u32 s13, $0x3;
	s30 =	sadd.s32 $0x3000, s15;
	[dreg:$0xc] =	wrdreg s29  }
0x11: {  	s11 =	smul.u32 $0x2710, s10;
	s19 =	sadd.s32 $0x4800, s15;
	[dreg:$0xd] =	wrdreg s30  }
0x12: {  	s14 =	ssub.s32 s14, s16;
	s20 =	sadd.s32 $0x6000, s15;
	[dreg:$0xe] =	wrdreg s19  }
0x13: {  	v0 =	vimm.s32 $0xFEDCBA98;
	v1 =	vimm.s32 $0x76543210;
	s16 =	simm.s32 $0x2E00;
	s21 =	sadd.s32 $0x7800, s15;
	[dreg:$0xf] =	wrdreg s20  }
0x14: {  	v2 =	vimm.s32 $0xBA98FEDC;
	v3 =	vimm.s32 $0x32107654;
	v4 =	vimm.s32 $0xDCFE98BA;
	s26 =	sadd.s32 s3, s12;
	s14 =	smax.u32 s14, $0x1;
	[dreg:$0x10] =	wrdreg s21  }
0x15: {  	v5 =	vimm.s32 $0x54761032;
	v6 =	vimm.s32 $0xEFCDAB89;
	s12 =	sadd.s32 $0x138000, s8;
	s23 =	sadd.s32 $0x9000, s15;
	[dreg:$0x11] =	wrdreg s14  }
0x16: {  	v7 =	vimm.s32 $0x67452301;
	vm0 =	vcmask $0x300;
	v0 =	vunpack.c.l.s4.s8 v0;
	s25 =	sadd.s32 $0xA800, s15;
	s31 =	sadd.s32 $0x12000, s15;
	[dreg:$0x12] =	wrdreg s23  }
0x17: {  	v1 =	vunpack.c.l.s4.s8 v1;
	v2 =	vunpack.c.l.s4.s8 v2;
	v3 =	vunpack.c.l.s4.s8 v3;
	s18 =	sadd.s32 $0x27000, s26;
	s10 =	sadd.s32 $0x75200, s26;
	[dreg:$0x13] =	wrdreg s25  }
0x18: {  	v4 =	vunpack.c.l.s4.s8 v4;
	v5 =	vunpack.c.l.s4.s8 v5;
	v6 =	vunpack.c.l.s4.s8 v6;
	s26 =	sadd.s32 $0xC000, s15;
	s29 =	sadd.s32 $0xF000, s15;
	[dreg:$0xa] =	wrdreg s18  }
0x19: {  	v7 =	vunpack.c.l.s4.s8 v7;
	v0 =	vunpack.c.0.s8.s32 v0;
	v2 =	vunpack.c.0.s8.s32 v2;
	s30 =	sadd.s32 $0x10800, s15;
	s14 =	simm.s32 $0x50;
	[dreg:$0xb] =	wrdreg s10  }
0x1a: {  	v3 =	vunpack.c.0.s8.s32 v3;
	v4 =	vunpack.c.0.s8.s32 v4;
	v5 =	vunpack.c.0.s8.s32 v5;
	s21 =	simm.s32 $0x600;
	s19 =	simm.s32 $0x5600;
	[dreg:$0x14] =	wrdreg s26  }
0x1b: {  	v1 =	vunpack.c.0.s8.s32 v1;
	v6 =	vunpack.c.0.s8.s32 v6;
	v7 =	vunpack.c.0.s8.s32 v7;
	s20 =	simm.s32 $0x0;
	s10 =	sadd.s32 s28, s13;
	[dreg:$0x16] =	wrdreg s29  }
0x1c: {  	v0 =	vand.u32 $0xF, v0;
	v2 =	vcombine.low v3, v2;
	v4 =	vcombine.low v5, v4;
	s28 =	sadd.s32 $0xD800, s15;
	[dreg:$0x17] =	wrdreg s30;
	s13 =	simm.s32 $0x80  }
0x1d: {  	v5 =	vcombine.low v7, v6;
	v0 =	vcombine.low v0, v1;
	v1 =	vimm.f32 $0.0e+00;
	s18 =	simm.s32 $0x2;
	s22 =	sadd.s32 $0x271000, s10;
	s10 =	sshrl.u32 s10, $0x3  }
0x1e: {  	vm15 =	vcmask $0x704;
	v2 =	vand.u32 $0xF, v2;
	v3 =	vsel vm0, $0x3F800000, v1;
	[dreg:$0x15] =	wrdreg s28;
	s23 =	sadd.s32 s10, s3;
	s24 =	sshrl.u32 s22, $0x3  }
0x1f: {  	v4 =	vand.u32 $0xF, v4;
	v5 =	vand.u32 $0xF, v5;
	v6 =	vsel vm15, $0x3F800000, v1;
	s10 =	simm.s32 $0x3;
	s24 =	sadd.s32 s24, s3;
	s3 =	simm.s32 $0x7E00  }
.LBB2_1:
0x20: {  	s22 =	simm.s32 $0x0;
	s25 =	simm.s32 $0x200  }
.LBB2_2:
0x21: {  	p1 =	sne.s32 s25, $0x5E00;
	[tilespmem:s22+$0x7E70] =	vst v1  }
0x22: {  	[tilespmem:s22+$0x7E00] =	vst v1  }
0x23: {  	[tilespmem:s22+$0x7E10] =	vst v1  }
.Ltmp0:
0x24: {  	[tilespmem:s22+$0x7E20] =	vst v1;
	(pc) =	sbr.rel @p1 .LBB2_2-.Ltmp0, $4  }
0x25: {  	[tilespmem:s22+$0x7E30] =	vst v1  }
0x26: {  	[tilespmem:s22+$0x7E40] =	vst v1  }
0x27: {  	[tilespmem:s22+$0x7E50] =	vst v1  }
0x28: {  	[tilespmem:s22+$0x7E60] =	vst v1;
	s22 =	sshra.s32 s25, $0x2;
	s25 =	sadd.s32 $0x200, s25  }
0x29: {  	[tilespmem:s22+$0x7E70] =	vst v1  }
0x2a: {  	[tilespmem:s22+$0x7E00] =	vst v1  }
0x2b: {  	[tilespmem:s22+$0x7E10] =	vst v1  }
0x2c: {  	[tilespmem:s22+$0x7E20] =	vst v1  }
0x2d: {  	[tilespmem:s22+$0x7E30] =	vst v1  }
0x2e: {  	[tilespmem:s22+$0x7E40] =	vst v1  }
0x2f: {  	[tilespmem:s22+$0x7E50] =	vst v1  }
0x30: {  	[tilespmem:s22+$0x7E60] =	vst v1  }
0x31: {  	[spmem:s15] =	stream.linear.scatter [tilespmem:s3], [sflag:$0x3], $0x1800, $0x38;
	[tilespmem:$0x1CE80] =	vst v63  }
0x32: {  	_ =	swait.ge [sflag:s10], $0x1800  }
0x33: {  	[sflag:s10] =	ssyncset.done $0x0  }
0x34: {  	s30 =	rddreg [dreg:$0xc];
	[sflag:s10] =	ssyncadd.s32 $0xFFFFE800  }
0x35: {  	[spmem:s30] =	stream.linear.scatter [tilespmem:s3], [sflag:$0x3], $0x1800, $0x38;
	[tilespmem:$0x1CE80] =	vst v63  }
0x36: {  	_ =	swait.ge [sflag:s10], $0x1800  }
0x37: {  	[sflag:s10] =	ssyncset.done $0x0  }
0x38: {  	s25 =	rddreg [dreg:$0xd];
	[sflag:s10] =	ssyncadd.s32 $0xFFFFE800  }
0x39: {  	[spmem:s25] =	stream.linear.scatter [tilespmem:s3], [sflag:$0x3], $0x1800, $0x38;
	[tilespmem:$0x1CE80] =	vst v63  }
0x3a: {  	_ =	swait.ge [sflag:s10], $0x1800  }
0x3b: {  	[sflag:s10] =	ssyncset.done $0x0  }
0x3c: {  	s26 =	rddreg [dreg:$0xe];
	[sflag:s10] =	ssyncadd.s32 $0xFFFFE800  }
0x3d: {  	[spmem:s26] =	stream.linear.scatter [tilespmem:s3], [sflag:$0x3], $0x1800, $0x38;
	[tilespmem:$0x1CE80] =	vst v63  }
0x3e: {  	_ =	swait.ge [sflag:s10], $0x1800  }
0x3f: {  	[sflag:s10] =	ssyncset.done $0x0  }
0x40: {  	s28 =	rddreg [dreg:$0xf];
	[sflag:s10] =	ssyncadd.s32 $0xFFFFE800  }
0x41: {  	[spmem:s28] =	stream.linear.scatter [tilespmem:s3], [sflag:$0x3], $0x1800, $0x38;
	[tilespmem:$0x1CE80] =	vst v63  }
0x42: {  	_ =	swait.ge [sflag:s10], $0x1800  }
0x43: {  	[sflag:s10] =	ssyncset.done $0x0  }
0x44: {  	s29 =	rddreg [dreg:$0x10];
	[sflag:s10] =	ssyncadd.s32 $0xFFFFE800  }
0x45: {  	[spmem:s29] =	stream.linear.scatter [tilespmem:s3], [sflag:$0x3], $0x1800, $0x38;
	[tilespmem:$0x1CE80] =	vst v63  }
0x46: {  	_ =	swait.ge [sflag:s10], $0x1800  }
0x47: {  	[sflag:s10] =	ssyncset.done $0x0  }
0x48: {  	s30 =	rddreg [dreg:$0x12];
	[sflag:s10] =	ssyncadd.s32 $0xFFFFE800  }
0x49: {  	[spmem:s30] =	stream.linear.scatter [tilespmem:s3], [sflag:$0x3], $0x1800, $0x38;
	[tilespmem:$0x1CE80] =	vst v63  }
0x4a: {  	_ =	swait.ge [sflag:s10], $0x1800  }
0x4b: {  	[sflag:s10] =	ssyncset.done $0x0  }
0x4c: {  	s25 =	rddreg [dreg:$0x13];
	[sflag:s10] =	ssyncadd.s32 $0xFFFFE800  }
0x4d: {  	[spmem:s25] =	stream.linear.scatter [tilespmem:s3], [sflag:$0x3], $0x1800, $0x38;
	[tilespmem:$0x1CE80] =	vst v63  }
0x4e: {  	_ =	swait.ge [sflag:s10], $0x1800  }
0x4f: {  	[sflag:s10] =	ssyncset.done $0x0  }
0x50: {  	s26 =	rddreg [dreg:$0x14];
	[sflag:s10] =	ssyncadd.s32 $0xFFFFE800  }
0x51: {  	[spmem:s26] =	stream.linear.scatter [tilespmem:s3], [sflag:$0x3], $0x1800, $0x38;
	[tilespmem:$0x1CE80] =	vst v63  }
0x52: {  	_ =	swait.ge [sflag:s10], $0x1800  }
0x53: {  	[sflag:s10] =	ssyncset.done $0x0  }
0x54: {  	s28 =	rddreg [dreg:$0x15];
	[sflag:s10] =	ssyncadd.s32 $0xFFFFE800  }
0x55: {  	[spmem:s28] =	stream.linear.scatter [tilespmem:s3], [sflag:$0x3], $0x1800, $0x38;
	[tilespmem:$0x1CE80] =	vst v63  }
0x56: {  	_ =	swait.ge [sflag:s10], $0x1800  }
0x57: {  	[sflag:s10] =	ssyncset.done $0x0  }
0x58: {  	s29 =	rddreg [dreg:$0x16];
	[sflag:s10] =	ssyncadd.s32 $0xFFFFE800  }
0x59: {  	[spmem:s29] =	stream.linear.scatter [tilespmem:s3], [sflag:$0x3], $0x1800, $0x38;
	[tilespmem:$0x1CE80] =	vst v63  }
0x5a: {  	_ =	swait.ge [sflag:s10], $0x1800  }
0x5b: {  	[sflag:s10] =	ssyncset.done $0x0  }
0x5c: {  	s30 =	rddreg [dreg:$0x17];
	[sflag:s10] =	ssyncadd.s32 $0xFFFFE800  }
0x5d: {  	[spmem:s30] =	stream.linear.scatter [tilespmem:s3], [sflag:$0x3], $0x1800, $0x38;
	[tilespmem:$0x1CE80] =	vst v63  }
0x5e: {  	_ =	swait.ge [sflag:s10], $0x1800  }
0x5f: {  	[sflag:s10] =	ssyncset.done $0x0  }
0x60: {  	[sflag:s10] =	ssyncadd.s32 $0xFFFFE800  }
0x61: {  	[spmem:s31] =	stream.linear.scatter [tilespmem:s3], [sflag:$0x3], $0x1800, $0x38;
	[tilespmem:$0x1CE80] =	vst v63  }
0x62: {  	_ =	swait.ge [sflag:s10], $0x1800  }
0x63: {  	[sflag:s10] =	ssyncset.done $0x0  }
0x64: {  	s22 =	simm.s32 @!p0 $0x7E00;
	[sflag:s10] =	ssyncadd.s32 $0xFFFFE800  }
0x65: {  	[spmem:s12] =	stream.linear.scatter @!p0 [tilespmem:s22], [sflag:$0x3], $0x800, $0x38;
	[tilespmem:$0x1CE80] =	vst v63  }
0x66: {  	s22 =	simm.s32 @!p0 $0x3  }
0x67: {  	_ =	swait.ge @!p0 [sflag:s22], $0x800  }
0x68: {  	[sflag:s22] =	ssyncset.done @!p0 $0x0  }
0x69: {  	s25 =	simm.s32 $0x70;
	[sflag:s22] =	ssyncadd.s32 @!p0 $0xFFFFF800;
	s22 =	simm.s32 $0x3C0  }
.LBB2_4:
0x6a: {  	p1 =	sne.s32 s22, $0x9FC0;
	[tilespmem:s25+$0x5600] =	vst v1;
	s25 =	smov.u32 s22;
	s22 =	sadd.s32 $0x200, s22  }
.Ltmp1:
0x6b: {  	(pc) =	sbr.rel @p1 .LBB2_4-.Ltmp1, $2  }
0x6c: {  	_ =	sdelay $0x2  }
0x6d: {  	s25 =	sshra.s32 s25, $0x2  }
0x6e: {  	[tilespmem:s25+$0x5600] =	vst v1  }
0x6f: {  	s22 =	simm.s32 $0x0;
	s25 =	simm.s32 $0x0;
	[bflag:$0x0] =	sbarrier.arrive $0xFFFF  }
.LBB2_6:
0x70: {  	s26 =	smul.u32 $0x50, s25;
	_ =	sdelay $0x1  }
0x71: {  	s26 =	sadd.s32 s11, s26  }
0x72: {  	s28 =	sshrl.u32 s26, $0x3  }
0x73: {  	s29 =	sadd.s32 s0, s28  }
0x74: {  	[tilespmem:s22], [sflag:$0x3] =	stream.linear.gather [hbm4b:s29+s22], $0x50, $0x38;
	[tilespmem:$0x1CE80] =	vst v63  }
0x75: {  	_ =	swait.ge [sflag:s10], $0x50  }
0x76: {  	[sflag:s10] =	ssyncset.done $0x0  }
0x77: {  	s28 =	sadd.s32 s1, s28;
	[sflag:s10] =	ssyncadd.s32 $0xFFFFFFB0  }
0x78: {  	[tilespmem:s13], [sflag:$0x3] =	stream.linear.gather [hbm4b:s28+s22], $0x50, $0x38;
	[tilespmem:$0x1CE80] =	vst v63  }
0x79: {  	_ =	swait.ge [sflag:s10], $0x50  }
0x7a: {  	s26 =	sshll.u32 s26, $0x1;
	[sflag:s10] =	ssyncset.done $0x0  }
0x7b: {  	s28 =	sadd.s32 s2, s26;
	s26 =	simm.s32 $0x100;
	[sflag:s10] =	ssyncadd.s32 $0xFFFFFFB0  }
0x7c: {  	[tilespmem:s26], [sflag:$0x3] =	stream.linear.gather [hbm4b:s28+s22], $0x500, $0x38;
	[tilespmem:$0x1CE80] =	vst v63  }
0x7d: {  	_ =	swait.ge [sflag:s10], $0x500  }
0x7e: {  	[sflag:s10] =	ssyncset.done $0x0  }
0x7f: {  	[sflag:s10] =	ssyncadd.s32 $0xFFFFFB00  }
0x80: {  	[tilespmem:s21], [sflag:$0x1] =	stream.indirect.gather [hbm4b:s5+s14], $0x80, s22, s14, $0xb8;
	[tilespmem:$0x1CE80] =	vst v63  }
0x81: {  	_ = 	snop  }
0x82: {  	[tilespmem:s16], [sflag:$0x2] =	stream.indirect.gather [hbm4b:s4+s14], $0x80, s13, s14, $0xb8;
	[tilespmem:$0x1CE80] =	vst v63  }
0x83: {  	_ =	swait.ge [sflag:s17], $0x2800  }
0x84: {  	[sflag:s17] =	ssyncset.done $0x0  }
0x85: {  	[sflag:s17] =	ssyncadd.s32 $0xFFFFD800  }
0x86: {  	_ =	swait.ge [sflag:s18], $0x2800  }
0x87: {  	[sflag:s18] =	ssyncset.done $0x0  }
0x88: {  	s28 =	simm.s32 $0x0;
	[sflag:s18] =	ssyncadd.s32 $0xFFFFD800  }
0x89: {  	v7 =	vld [tilespmem:s28+$0x2E40]  }
0x8a: {  	v8 =	vld [tilespmem:s28+$0x2E00]  }
0x8b: {  	v9 =	vld [tilespmem:s28+$0x600]  }
0x8c: {  	v10 =	vld [tilespmem:s28+$0x2E10]  }
0x8d: {  	v11 =	vld [tilespmem:s28+$0x610]  }
0x8e: {  	v12 =	vld [tilespmem:s28+$0x2E20]  }
0x8f: {  	v13 =	vld [tilespmem:s28+$0x620]  }
0x90: {  	v15 =	vld [tilespmem:s26+$0x0]  }
0x91: {  	v14 =	vld [tilespmem:s28+$0x2E30]  }
0x92: {  	v16 =	vld [tilespmem:s28+$0x630];
	_ =	sdelay $0x1  }
0x93: {  	v8 =	vmul.f32 v9, v8;
	v9 =	vmul.f32 v11, v10;
	v10 =	vld [tilespmem:s28+$0x2E50];
	_ =	sdelay $0x1  }
0x94: {  	v7 =	vmul.f32 v7, v15  }
0x95: {  	v11 =	vmul.f32 v16, v14;
	v8 =	vadd.f32 v9, v8;
	v9 =	vmul.f32 v13, v12;
	_ =	sdelay $0x1  }
0x96: {  	v7 =	vadd.f32 v7, v8;
	v8 =	vadd.f32 v11, v9;
	v9 =	vmul.f32 v10, v15;
	_ =	sdelay $0x1  }
0x97: {  	v10 =	vperm.xlane v7, v0;
	v8 =	vadd.f32 v9, v8;
	_ =	sdelay $0x1  }
0x98: {  	v7 =	vadd.f32 v7, v10;
	v9 =	vperm.xlane v8, v0;
	_ =	sdelay $0x1  }
0x99: {  	v10 =	vperm.xlane v7, v2;
	v8 =	vadd.f32 v8, v9;
	_ =	sdelay $0x1  }
0x9a: {  	v7 =	vadd.f32 v7, v10;
	v9 =	vperm.xlane v8, v2;
	_ =	sdelay $0x1  }
0x9b: {  	v10 =	vperm.xlane v7, v4;
	v8 =	vadd.f32 v8, v9;
	_ =	sdelay $0x1  }
0x9c: {  	v7 =	vadd.f32 v7, v10;
	v9 =	vperm.xlane v8, v4;
	_ =	sdelay $0x1  }
0x9d: {  	v10 =	vperm.xlane v7, v5;
	v8 =	vadd.f32 v8, v9;
	_ =	sdelay $0x1  }
0x9e: {  	v7 =	vadd.f32 v7, v10;
	v9 =	vperm.xlane v8, v5;
	_ =	sdelay $0x1  }
0x9f: {  	v7 =	vmul.f32 $1.767766920e-01, v7;
	v8 =	vadd.f32 v8, v9;
	_ =	sdelay $0x1  }
0xa0: {  	v7 =	vmul.f32 $1.442695020e+00, v7;
	v8 =	vmul.f32 $1.767766920e-01, v8;
	_ =	sdelay $0x1  }
0xa1: {  	(erf) = vpow2.f32 v7;
	v7 =	vmul.f32 $1.442695020e+00, v8;
	_ =	sdelay $0x1  }
0xa2: {  	(erf) = vpow2.f32 v7;
	_ =	sdelay $0x2  }
0xa3: {  	v8 =	vld [tilespmem:s28+$0x640]  }
0xa4: {  	v10 =	vld [tilespmem:s28+$0x650];
	_ =	sdelay $0x1  }
0xa5: {  	v11 =	vld [tilespmem:s28+$0x660]  }
0xa6: {  	s29 =	simm.s32 $0x80;
	v13 =	vld [tilespmem:s28+$0x670];
	v14 =	vpop (erf)  }
0xa7: {  	v9 =	vld [tilespmem:s29+$0x600];
	v12 =	vmul.f32 v8, v14  }
0xa8: {  	v7 =	vld [tilespmem:s29+$0x2E40];
	v16 =	vmul.f32 v10, v14;
	v17 =	vpop (erf)  }
0xa9: {  	v8 =	vld [tilespmem:s29+$0x2E00];
	[tilespmem:s28+$0x5610] =	vst v12;
	v12 =	vmul.f32 v3, v14;
	v18 =	vmul.f32 v6, v17  }
0xaa: {  	v19 =	vmul.f32 v11, v17  }
0xab: {  	v10 =	vld [tilespmem:s29+$0x2E10];
	[tilespmem:s28+$0x5620] =	vst v16;
	v16 =	vadd.f32 v18, v12  }
0xac: {  	v63 =	vmul.f32 v13, v17;
	v11 =	vld [tilespmem:s29+$0x610];
	[tilespmem:s28+$0x5630] =	vst v19  }
0xad: {  	v12 =	vld [tilespmem:s29+$0x2E20];
	[tilespmem:s28+$0x5600] =	vst v16;
	v16 =	vmul.f32 v14, v15  }
0xae: {  	v15 =	vmul.f32 v17, v15;
	v13 =	vld [tilespmem:s29+$0x620];
	[tilespmem:s28+$0x5640] =	vst v63  }
0xaf: {  	s30 =	simm.s32 $0x400;
	v14 =	vld [tilespmem:s29+$0x2E30];
	[tilespmem:s28+$0x5650] =	vst v16  }
.LBB2_7:
0xb0: {  	p1 =	sne.s32 s30, $0x9E00;
	v16 =	vld [tilespmem:s29+$0x630];
	[tilespmem:s28+$0x5660] =	vst v15;
	s26 =	sadd.s32 $0x10, s26;
	s28 =	smov.u32 s29  }
0xb1: {  	v15 =	vld [tilespmem:s26+$0x0]  }
0xb2: {  	v17 =	vld [tilespmem:s28+$0x2E50];
	_ =	sdelay $0x1  }
0xb3: {  	v8 =	vmul.f32 v9, v8;
	v9 =	vmul.f32 v11, v10  }
0xb4: {  	v10 =	vmul.f32 v13, v12;
	v11 =	vmul.f32 v16, v14  }
0xb5: {  	v8 =	vadd.f32 v9, v8;
	v7 =	vmul.f32 v7, v15  }
0xb6: {  	v9 =	vadd.f32 v11, v10;
	v10 =	vmul.f32 v17, v15  }
0xb7: {  	v7 =	vadd.f32 v7, v8  }
0xb8: {  	v8 =	vadd.f32 v10, v9  }
0xb9: {  	v9 =	vperm.xlane v7, v0  }
0xba: {  	v10 =	vperm.xlane v8, v0  }
0xbb: {  	v7 =	vadd.f32 v7, v9  }
0xbc: {  	v8 =	vadd.f32 v8, v10  }
0xbd: {  	v9 =	vperm.xlane v7, v2  }
0xbe: {  	v10 =	vperm.xlane v8, v2  }
0xbf: {  	v7 =	vadd.f32 v7, v9  }
0xc0: {  	v8 =	vadd.f32 v8, v10  }
0xc1: {  	v9 =	vperm.xlane v7, v4  }
0xc2: {  	v10 =	vperm.xlane v8, v4  }
0xc3: {  	v7 =	vadd.f32 v7, v9  }
0xc4: {  	v8 =	vadd.f32 v8, v10  }
0xc5: {  	v9 =	vperm.xlane v7, v5  }
0xc6: {  	v10 =	vperm.xlane v8, v5  }
0xc7: {  	v7 =	vadd.f32 v7, v9  }
0xc8: {  	v8 =	vadd.f32 v8, v10  }
0xc9: {  	v7 =	vmul.f32 $1.767766920e-01, v7  }
0xca: {  	v8 =	vmul.f32 $1.767766920e-01, v8  }
0xcb: {  	v7 =	vmul.f32 $1.442695020e+00, v7  }
0xcc: {  	v8 =	vmul.f32 $1.442695020e+00, v8  }
0xcd: {  	(erf) = vpow2.f32 v7  }
0xce: {  	(erf) = vpow2.f32 v8;
	_ =	sdelay $0x2  }
0xcf: {  	v8 =	vld [tilespmem:s28+$0x640]  }
0xd0: {  	v9 =	vld [tilespmem:s28+$0x650]  }
0xd1: {  	v10 =	vld [tilespmem:s28+$0x660]  }
0xd2: {  	v11 =	vld [tilespmem:s28+$0x670];
	_ =	sdelay $0x1  }
0xd3: {  	s29 =	sshra.s32 s30, $0x2;
	v12 =	vpop (erf)  }
0xd4: {  	v7 =	vld [tilespmem:s29+$0x2E40];
	v13 =	vmul.f32 v8, v12;
	v14 =	vmul.f32 v9, v12;
	v16 =	vpop (erf)  }
0xd5: {  	v17 =	vmul.f32 v3, v12;
	v8 =	vld [tilespmem:s29+$0x2E00];
	v18 =	vmul.f32 v6, v16  }
0xd6: {  	v9 =	vld [tilespmem:s29+$0x600];
	[tilespmem:s28+$0x5610] =	vst v13;
	v13 =	vmul.f32 v10, v16;
	v19 =	vmul.f32 v11, v16  }
.Ltmp2:
0xd7: {  	v10 =	vld [tilespmem:s29+$0x2E10];
	v17 =	vadd.f32 v18, v17;
	[tilespmem:s28+$0x5620] =	vst v14;
	v18 =	vmul.f32 v12, v15;
	v15 =	vmul.f32 v16, v15;
	(pc) =	sbr.rel @p1 .LBB2_7-.Ltmp2, $4  }
0xd8: {  	v11 =	vld [tilespmem:s29+$0x610];
	[tilespmem:s28+$0x5630] =	vst v13  }
0xd9: {  	v12 =	vld [tilespmem:s29+$0x2E20];
	[tilespmem:s28+$0x5600] =	vst v17  }
0xda: {  	v13 =	vld [tilespmem:s29+$0x620];
	[tilespmem:s28+$0x5640] =	vst v19  }
0xdb: {  	s30 =	sadd.s32 $0x200, s30;
	v14 =	vld [tilespmem:s29+$0x2E30];
	[tilespmem:s28+$0x5650] =	vst v18  }
0xdc: {  	v16 =	vld [tilespmem:s29+$0x630];
	[tilespmem:s28+$0x5660] =	vst v15;
	s26 =	sadd.s32 $0x10, s26  }
0xdd: {  	v15 =	vld [tilespmem:s26+$0x0];
	_ =	sdelay $0x1  }
0xde: {  	v17 =	vld [tilespmem:s29+$0x2E50]  }
0xdf: {  	v8 =	vmul.f32 v9, v8;
	v50 =	vmul.f32 v11, v10  }
0xe0: {  	v51 =	vmul.f32 v13, v12  }
0xe1: {  	v8 =	vadd.f32 v50, v8;
	v52 =	vmul.f32 v16, v14;
	v7 =	vmul.f32 v7, v15;
	_ =	sdelay $0x1  }
0xe2: {  	v54 =	vmul.f32 v17, v15;
	v53 =	vadd.f32 v52, v51;
	v7 =	vadd.f32 v7, v8;
	_ =	sdelay $0x1  }
0xe3: {  	v8 =	vadd.f32 v54, v53;
	v55 =	vperm.xlane v7, v0;
	_ =	sdelay $0x1  }
0xe4: {  	v10 =	vperm.xlane v8, v0;
	v7 =	vadd.f32 v7, v55;
	_ =	sdelay $0x1  }
0xe5: {  	v8 =	vadd.f32 v8, v10;
	v9 =	vperm.xlane v7, v2;
	_ =	sdelay $0x1  }
0xe6: {  	v10 =	vperm.xlane v8, v2;
	v7 =	vadd.f32 v7, v9;
	_ =	sdelay $0x1  }
0xe7: {  	v8 =	vadd.f32 v8, v10;
	v9 =	vperm.xlane v7, v4;
	_ =	sdelay $0x1  }
0xe8: {  	v10 =	vperm.xlane v8, v4;
	v7 =	vadd.f32 v7, v9;
	_ =	sdelay $0x1  }
0xe9: {  	v8 =	vadd.f32 v8, v10;
	v9 =	vperm.xlane v7, v5;
	_ =	sdelay $0x1  }
0xea: {  	v10 =	vperm.xlane v8, v5;
	v7 =	vadd.f32 v7, v9;
	_ =	sdelay $0x1  }
0xeb: {  	v8 =	vadd.f32 v8, v10;
	v7 =	vmul.f32 $1.767766920e-01, v7;
	_ =	sdelay $0x1  }
0xec: {  	v8 =	vmul.f32 $1.767766920e-01, v8;
	v7 =	vmul.f32 $1.442695020e+00, v7;
	_ =	sdelay $0x1  }
0xed: {  	v8 =	vmul.f32 $1.442695020e+00, v8;
	(erf) = vpow2.f32 v7;
	_ =	sdelay $0x1  }
0xee: {  	(erf) = vpow2.f32 v8;
	_ =	sdelay $0x2  }
0xef: {  	v7 =	vld [tilespmem:s29+$0x640]  }
0xf0: {  	v8 =	vld [tilespmem:s29+$0x650];
	_ =	sdelay $0x1  }
0xf1: {  	v56 =	vld [tilespmem:s29+$0x660]  }
0xf2: {  	v57 =	vld [tilespmem:s29+$0x670];
	v58 =	vpop (erf)  }
0xf3: {  	v7 =	vmul.f32 v7, v58  }
0xf4: {  	v8 =	vmul.f32 v8, v58;
	v59 =	vpop (erf)  }
0xf5: {  	v60 =	vmul.f32 v3, v58;
	v63 =	vmul.f32 v59, v15;
	[tilespmem:s29+$0x5610] =	vst v7  }
0xf6: {  	v61 =	vmul.f32 v6, v59;
	v7 =	vmul.f32 v56, v59;
	[tilespmem:s29+$0x5620] =	vst v8  }
0xf7: {  	v8 =	vmul.f32 v57, v59;
	[tilespmem:s29+$0x5660] =	vst v63  }
0xf8: {  	v62 =	vadd.f32 v61, v60;
	[tilespmem:s29+$0x5630] =	vst v7  }
0xf9: {  	s25 =	sadd.s32 $0x1, s25;
	v7 =	vmul.f32 v58, v15;
	[tilespmem:s29+$0x5640] =	vst v8  }
0xfa: {  	p1 =	sne.s32 s25, $0x7D;
	[tilespmem:s29+$0x5600] =	vst v62  }
.Ltmp3:
0xfb: {  	[tilespmem:s29+$0x5650] =	vst v7;
	(pc) =	sbr.rel @p1 .LBB2_6-.Ltmp3, $4  }
0xfc: {  	[spmem:s8] =	stream.indirect.scatter.add.f32 [tilespmem:s19], [sflag:$0x3], $0x80, s13, s14, $0xb8;
	[tilespmem:$0x1CE80] =	vst v63  }
0xfd: {  	_ =	swait.ge [sflag:s10], $0x2800  }
0xfe: {  	[sflag:s10] =	ssyncset.done $0x0  }
0xff: {  	[sflag:s10] =	ssyncadd.s32 $0xFFFFD800  }
0x100: {  	[bflag:$0x0] =	sbarrier.arrive $0xFFFF  }
0x101: {  	[tilespmem:s19], [sflag:$0x3] =	stream.linear.gather [spmem:s15], $0x1800, $0x38;
	[tilespmem:$0x1CE80] =	vst v63  }
0x102: {  	_ =	swait.ge [sflag:s10], $0x1800  }
0x103: {  	[sflag:s10] =	ssyncset.done $0x0  }
0x104: {  	s22 =	sadd.s32 $0x0, s23;
	[sflag:s10] =	ssyncadd.s32 $0xFFFFE800  }
0x105: {  	[hbm4b:s22+s9] =	stream.linear.scatter [tilespmem:s19], [sflag:$0x3], $0x1800, $0x38;
	[tilespmem:$0x1CE80] =	vst v63  }
0x106: {  	_ =	swait.ge [sflag:s10], $0x1800  }
0x107: {  	s25 =	smov.u32 s15;
	s22 =	simm.s32 $0x300;
	[sflag:s10] =	ssyncset.done $0x0  }
.LBB2_10:
0x108: {  	p1 =	sne.s32 s22, $0x2400;
	[sflag:s10] =	ssyncadd.s32 $0xFFFFE800;
	s25 =	sadd.s32 $0x1800, s25  }
0x109: {  	[tilespmem:s19], [sflag:$0x3] =	stream.linear.gather [spmem:s25], $0x1800, $0x38;
	[tilespmem:$0x1CE80] =	vst v63  }
0x10a: {  	s26 =	smov.u32 s22;
	s22 =	sadd.s32 $0x300, s22;
	_ =	swait.ge [sflag:s10], $0x1800  }
.Ltmp4:
0x10b: {  	[sflag:s10] =	ssyncset.done $0x0;
	(pc) =	sbr.rel @p1 .LBB2_10-.Ltmp4, $4  }
0x10c: {  	s26 =	sadd.s32 s26, s23;
	[sflag:s10] =	ssyncadd.s32 $0xFFFFE800  }
0x10d: {  	[hbm4b:s26+s9] =	stream.linear.scatter [tilespmem:s19], [sflag:$0x3], $0x1800, $0x38;
	[tilespmem:$0x1CE80] =	vst v63  }
0x10e: {  	_ =	swait.ge [sflag:s10], $0x1800  }
0x10f: {  	[sflag:s10] =	ssyncset.done $0x0  }
0x110: {  	[sflag:s10] =	ssyncadd.s32 $0xFFFFE800;
	s25 =	simm.s32 @!p0 $0x5600;
	s22 =	simm.s32 @!p0 $0x3  }
0x111: {  	[tilespmem:s25], [sflag:$0x3] =	stream.linear.gather @!p0 [spmem:s12], $0x800, $0x38;
	[tilespmem:$0x1CE80] =	vst v63  }
0x112: {  	_ =	swait.ge @!p0 [sflag:s22], $0x800  }
0x113: {  	[sflag:s22] =	ssyncset.done @!p0 $0x0  }
0x114: {  	s26 =	simm.s32 @!p0 $0x0;
	s28 =	rddreg [dreg:$0xa];
	[sflag:s22] =	ssyncadd.s32 @!p0 $0xFFFFF800  }
0x115: {  	[hbm4b:s28+s26] =	stream.linear.scatter @!p0 [tilespmem:s25], [sflag:$0x3], $0x800, $0x38;
	[tilespmem:$0x1CE80] =	vst v63  }
0x116: {  	_ =	swait.ge @!p0 [sflag:s22], $0x800  }
0x117: {  	[sflag:s22] =	ssyncset.done @!p0 $0x0  }
0x118: {  	[sflag:s22] =	ssyncadd.s32 @!p0 $0xFFFFF800  }
0x119: {  	[bflag:$0x0] =	sbarrier.arrive $0xFFFF  }
0x11a: {  	[spmem:s15] =	stream.linear.scatter [tilespmem:s3], [sflag:$0x3], $0x1800, $0x38;
	[tilespmem:$0x1CE80] =	vst v63  }
0x11b: {  	_ =	swait.ge [sflag:s10], $0x1800  }
0x11c: {  	[sflag:s10] =	ssyncset.done $0x0  }
0x11d: {  	s28 =	rddreg [dreg:$0xc];
	[sflag:s10] =	ssyncadd.s32 $0xFFFFE800  }
0x11e: {  	[spmem:s28] =	stream.linear.scatter [tilespmem:s3], [sflag:$0x3], $0x1800, $0x38;
	[tilespmem:$0x1CE80] =	vst v63  }
0x11f: {  	_ =	swait.ge [sflag:s10], $0x1800  }
0x120: {  	[sflag:s10] =	ssyncset.done $0x0  }
0x121: {  	s29 =	rddreg [dreg:$0xd];
	[sflag:s10] =	ssyncadd.s32 $0xFFFFE800  }
0x122: {  	[spmem:s29] =	stream.linear.scatter [tilespmem:s3], [sflag:$0x3], $0x1800, $0x38;
	[tilespmem:$0x1CE80] =	vst v63  }
0x123: {  	_ =	swait.ge [sflag:s10], $0x1800  }
0x124: {  	[sflag:s10] =	ssyncset.done $0x0  }
0x125: {  	s30 =	rddreg [dreg:$0xe];
	[sflag:s10] =	ssyncadd.s32 $0xFFFFE800  }
0x126: {  	[spmem:s30] =	stream.linear.scatter [tilespmem:s3], [sflag:$0x3], $0x1800, $0x38;
	[tilespmem:$0x1CE80] =	vst v63  }
0x127: {  	_ =	swait.ge [sflag:s10], $0x1800  }
0x128: {  	[sflag:s10] =	ssyncset.done $0x0  }
0x129: {  	s26 =	rddreg [dreg:$0xf];
	[sflag:s10] =	ssyncadd.s32 $0xFFFFE800  }
0x12a: {  	[spmem:s26] =	stream.linear.scatter [tilespmem:s3], [sflag:$0x3], $0x1800, $0x38;
	[tilespmem:$0x1CE80] =	vst v63  }
0x12b: {  	_ =	swait.ge [sflag:s10], $0x1800  }
0x12c: {  	[sflag:s10] =	ssyncset.done $0x0  }
0x12d: {  	s28 =	rddreg [dreg:$0x10];
	[sflag:s10] =	ssyncadd.s32 $0xFFFFE800  }
0x12e: {  	[spmem:s28] =	stream.linear.scatter [tilespmem:s3], [sflag:$0x3], $0x1800, $0x38;
	[tilespmem:$0x1CE80] =	vst v63  }
0x12f: {  	_ =	swait.ge [sflag:s10], $0x1800  }
0x130: {  	[sflag:s10] =	ssyncset.done $0x0  }
0x131: {  	s29 =	rddreg [dreg:$0x12];
	[sflag:s10] =	ssyncadd.s32 $0xFFFFE800  }
0x132: {  	[spmem:s29] =	stream.linear.scatter [tilespmem:s3], [sflag:$0x3], $0x1800, $0x38;
	[tilespmem:$0x1CE80] =	vst v63  }
0x133: {  	_ =	swait.ge [sflag:s10], $0x1800  }
0x134: {  	[sflag:s10] =	ssyncset.done $0x0  }
0x135: {  	s30 =	rddreg [dreg:$0x13];
	[sflag:s10] =	ssyncadd.s32 $0xFFFFE800  }
0x136: {  	[spmem:s30] =	stream.linear.scatter [tilespmem:s3], [sflag:$0x3], $0x1800, $0x38;
	[tilespmem:$0x1CE80] =	vst v63  }
0x137: {  	_ =	swait.ge [sflag:s10], $0x1800  }
0x138: {  	[sflag:s10] =	ssyncset.done $0x0  }
0x139: {  	s26 =	rddreg [dreg:$0x14];
	[sflag:s10] =	ssyncadd.s32 $0xFFFFE800  }
0x13a: {  	[spmem:s26] =	stream.linear.scatter [tilespmem:s3], [sflag:$0x3], $0x1800, $0x38;
	[tilespmem:$0x1CE80] =	vst v63  }
0x13b: {  	_ =	swait.ge [sflag:s10], $0x1800  }
0x13c: {  	[sflag:s10] =	ssyncset.done $0x0  }
0x13d: {  	s28 =	rddreg [dreg:$0x15];
	[sflag:s10] =	ssyncadd.s32 $0xFFFFE800  }
0x13e: {  	[spmem:s28] =	stream.linear.scatter [tilespmem:s3], [sflag:$0x3], $0x1800, $0x38;
	[tilespmem:$0x1CE80] =	vst v63  }
0x13f: {  	_ =	swait.ge [sflag:s10], $0x1800  }
0x140: {  	[sflag:s10] =	ssyncset.done $0x0  }
0x141: {  	s29 =	rddreg [dreg:$0x16];
	[sflag:s10] =	ssyncadd.s32 $0xFFFFE800  }
0x142: {  	[spmem:s29] =	stream.linear.scatter [tilespmem:s3], [sflag:$0x3], $0x1800, $0x38;
	[tilespmem:$0x1CE80] =	vst v63  }
0x143: {  	_ =	swait.ge [sflag:s10], $0x1800  }
0x144: {  	[sflag:s10] =	ssyncset.done $0x0  }
0x145: {  	s30 =	rddreg [dreg:$0x17];
	[sflag:s10] =	ssyncadd.s32 $0xFFFFE800  }
0x146: {  	[spmem:s30] =	stream.linear.scatter [tilespmem:s3], [sflag:$0x3], $0x1800, $0x38;
	[tilespmem:$0x1CE80] =	vst v63  }
0x147: {  	_ =	swait.ge [sflag:s10], $0x1800  }
0x148: {  	[sflag:s10] =	ssyncset.done $0x0  }
0x149: {  	[sflag:s10] =	ssyncadd.s32 $0xFFFFE800  }
0x14a: {  	[spmem:s31] =	stream.linear.scatter [tilespmem:s3], [sflag:$0x3], $0x1800, $0x38;
	[tilespmem:$0x1CE80] =	vst v63  }
0x14b: {  	_ =	swait.ge [sflag:s10], $0x1800  }
0x14c: {  	[sflag:s10] =	ssyncset.done $0x0  }
0x14d: {  	s25 =	simm.s32 @!p0 $0x7E00;
	[sflag:s10] =	ssyncadd.s32 $0xFFFFE800  }
0x14e: {  	[spmem:s12] =	stream.linear.scatter @!p0 [tilespmem:s25], [sflag:$0x3], $0x800, $0x38;
	[tilespmem:$0x1CE80] =	vst v63  }
0x14f: {  	_ =	swait.ge @!p0 [sflag:s22], $0x800  }
0x150: {  	[sflag:s22] =	ssyncset.done @!p0 $0x0  }
0x151: {  	s25 =	simm.s32 $0x70;
	[sflag:s22] =	ssyncadd.s32 @!p0 $0xFFFFF800;
	s22 =	simm.s32 $0x3C0  }
.LBB2_12:
0x152: {  	p1 =	sne.s32 s22, $0x9FC0;
	[tilespmem:s25+$0x5600] =	vst v1;
	s25 =	smov.u32 s22;
	s22 =	sadd.s32 $0x200, s22  }
.Ltmp5:
0x153: {  	(pc) =	sbr.rel @p1 .LBB2_12-.Ltmp5, $2  }
0x154: {  	_ =	sdelay $0x2  }
0x155: {  	s25 =	sshra.s32 s25, $0x2  }
0x156: {  	[tilespmem:s25+$0x5600] =	vst v1  }
0x157: {  	s22 =	simm.s32 $0x0;
	s25 =	simm.s32 $0x0;
	[bflag:$0x0] =	sbarrier.arrive $0xFFFF  }
.LBB2_14:
0x158: {  	s26 =	smul.u32 $0x50, s25;
	_ =	sdelay $0x1  }
0x159: {  	s26 =	sadd.s32 s11, s26  }
0x15a: {  	s28 =	sshrl.u32 s26, $0x3  }
0x15b: {  	s29 =	sadd.s32 s0, s28  }
0x15c: {  	[tilespmem:s22], [sflag:$0x3] =	stream.linear.gather [hbm4b:s29+s22], $0x50, $0x38;
	[tilespmem:$0x1CE80] =	vst v63  }
0x15d: {  	_ =	swait.ge [sflag:s10], $0x50  }
0x15e: {  	[sflag:s10] =	ssyncset.done $0x0  }
0x15f: {  	s28 =	sadd.s32 s1, s28;
	[sflag:s10] =	ssyncadd.s32 $0xFFFFFFB0  }
0x160: {  	[tilespmem:s13], [sflag:$0x3] =	stream.linear.gather [hbm4b:s28+s22], $0x50, $0x38;
	[tilespmem:$0x1CE80] =	vst v63  }
0x161: {  	_ =	swait.ge [sflag:s10], $0x50  }
0x162: {  	s26 =	sshll.u32 s26, $0x1;
	[sflag:s10] =	ssyncset.done $0x0  }
0x163: {  	s28 =	sadd.s32 s2, s26;
	s26 =	simm.s32 $0x100;
	[sflag:s10] =	ssyncadd.s32 $0xFFFFFFB0  }
0x164: {  	[tilespmem:s26], [sflag:$0x3] =	stream.linear.gather [hbm4b:s28+s22], $0x500, $0x38;
	[tilespmem:$0x1CE80] =	vst v63  }
0x165: {  	_ =	swait.ge [sflag:s10], $0x500  }
0x166: {  	[sflag:s10] =	ssyncset.done $0x0  }
0x167: {  	[sflag:s10] =	ssyncadd.s32 $0xFFFFFB00  }
0x168: {  	[tilespmem:s21], [sflag:$0x1] =	stream.indirect.gather [hbm4b:s7+s14], $0x80, s22, s14, $0xb8;
	[tilespmem:$0x1CE80] =	vst v63  }
0x169: {  	_ = 	snop  }
0x16a: {  	[tilespmem:s16], [sflag:$0x2] =	stream.indirect.gather [hbm4b:s6+s14], $0x80, s13, s14, $0xb8;
	[tilespmem:$0x1CE80] =	vst v63  }
0x16b: {  	_ =	swait.ge [sflag:s17], $0x2800  }
0x16c: {  	[sflag:s17] =	ssyncset.done $0x0  }
0x16d: {  	[sflag:s17] =	ssyncadd.s32 $0xFFFFD800  }
0x16e: {  	_ =	swait.ge [sflag:s18], $0x2800  }
0x16f: {  	[sflag:s18] =	ssyncset.done $0x0  }
0x170: {  	s28 =	simm.s32 $0x0;
	[sflag:s18] =	ssyncadd.s32 $0xFFFFD800  }
0x171: {  	v7 =	vld [tilespmem:s28+$0x2E40]  }
0x172: {  	v8 =	vld [tilespmem:s28+$0x2E00]  }
0x173: {  	v9 =	vld [tilespmem:s28+$0x600]  }
0x174: {  	v10 =	vld [tilespmem:s28+$0x2E10]  }
0x175: {  	v11 =	vld [tilespmem:s28+$0x610]  }
0x176: {  	v12 =	vld [tilespmem:s28+$0x2E20]  }
0x177: {  	v13 =	vld [tilespmem:s28+$0x620]  }
0x178: {  	v15 =	vld [tilespmem:s26+$0x0]  }
0x179: {  	v14 =	vld [tilespmem:s28+$0x2E30]  }
0x17a: {  	v16 =	vld [tilespmem:s28+$0x630];
	_ =	sdelay $0x1  }
0x17b: {  	v8 =	vmul.f32 v9, v8;
	v9 =	vmul.f32 v11, v10;
	v10 =	vld [tilespmem:s28+$0x2E50];
	_ =	sdelay $0x1  }
0x17c: {  	v7 =	vmul.f32 v7, v15  }
0x17d: {  	v11 =	vmul.f32 v16, v14;
	v8 =	vadd.f32 v9, v8;
	v9 =	vmul.f32 v13, v12;
	_ =	sdelay $0x1  }
0x17e: {  	v7 =	vadd.f32 v7, v8;
	v8 =	vadd.f32 v11, v9;
	v9 =	vmul.f32 v10, v15;
	_ =	sdelay $0x1  }
0x17f: {  	v10 =	vperm.xlane v7, v0;
	v8 =	vadd.f32 v9, v8;
	_ =	sdelay $0x1  }
0x180: {  	v7 =	vadd.f32 v7, v10;
	v9 =	vperm.xlane v8, v0;
	_ =	sdelay $0x1  }
0x181: {  	v10 =	vperm.xlane v7, v2;
	v8 =	vadd.f32 v8, v9;
	_ =	sdelay $0x1  }
0x182: {  	v7 =	vadd.f32 v7, v10;
	v9 =	vperm.xlane v8, v2;
	_ =	sdelay $0x1  }
0x183: {  	v10 =	vperm.xlane v7, v4;
	v8 =	vadd.f32 v8, v9;
	_ =	sdelay $0x1  }
0x184: {  	v7 =	vadd.f32 v7, v10;
	v9 =	vperm.xlane v8, v4;
	_ =	sdelay $0x1  }
0x185: {  	v10 =	vperm.xlane v7, v5;
	v8 =	vadd.f32 v8, v9;
	_ =	sdelay $0x1  }
0x186: {  	v7 =	vadd.f32 v7, v10;
	v9 =	vperm.xlane v8, v5;
	_ =	sdelay $0x1  }
0x187: {  	v7 =	vmul.f32 $1.767766920e-01, v7;
	v8 =	vadd.f32 v8, v9;
	_ =	sdelay $0x1  }
0x188: {  	v7 =	vmul.f32 $1.442695020e+00, v7;
	v8 =	vmul.f32 $1.767766920e-01, v8;
	_ =	sdelay $0x1  }
0x189: {  	(erf) = vpow2.f32 v7;
	v7 =	vmul.f32 $1.442695020e+00, v8;
	_ =	sdelay $0x1  }
0x18a: {  	(erf) = vpow2.f32 v7;
	_ =	sdelay $0x2  }
0x18b: {  	v8 =	vld [tilespmem:s28+$0x640]  }
0x18c: {  	v10 =	vld [tilespmem:s28+$0x650];
	_ =	sdelay $0x1  }
0x18d: {  	v11 =	vld [tilespmem:s28+$0x660]  }
0x18e: {  	s29 =	simm.s32 $0x80;
	v13 =	vld [tilespmem:s28+$0x670];
	v14 =	vpop (erf)  }
0x18f: {  	v9 =	vld [tilespmem:s29+$0x600];
	v12 =	vmul.f32 v8, v14  }
0x190: {  	v7 =	vld [tilespmem:s29+$0x2E40];
	v16 =	vmul.f32 v10, v14;
	v17 =	vpop (erf)  }
0x191: {  	v8 =	vld [tilespmem:s29+$0x2E00];
	[tilespmem:s28+$0x5610] =	vst v12;
	v12 =	vmul.f32 v3, v14;
	v18 =	vmul.f32 v6, v17  }
0x192: {  	v19 =	vmul.f32 v11, v17  }
0x193: {  	v10 =	vld [tilespmem:s29+$0x2E10];
	[tilespmem:s28+$0x5620] =	vst v16;
	v16 =	vadd.f32 v18, v12  }
0x194: {  	v63 =	vmul.f32 v13, v17;
	v11 =	vld [tilespmem:s29+$0x610];
	[tilespmem:s28+$0x5630] =	vst v19  }
0x195: {  	v12 =	vld [tilespmem:s29+$0x2E20];
	[tilespmem:s28+$0x5600] =	vst v16;
	v16 =	vmul.f32 v14, v15  }
0x196: {  	v15 =	vmul.f32 v17, v15;
	v13 =	vld [tilespmem:s29+$0x620];
	[tilespmem:s28+$0x5640] =	vst v63  }
0x197: {  	s30 =	simm.s32 $0x400;
	v14 =	vld [tilespmem:s29+$0x2E30];
	[tilespmem:s28+$0x5650] =	vst v16  }
.LBB2_15:
0x198: {  	p1 =	sne.s32 s30, $0x9E00;
	v16 =	vld [tilespmem:s29+$0x630];
	[tilespmem:s28+$0x5660] =	vst v15;
	s26 =	sadd.s32 $0x10, s26;
	s28 =	smov.u32 s29  }
0x199: {  	v15 =	vld [tilespmem:s26+$0x0]  }
0x19a: {  	v17 =	vld [tilespmem:s28+$0x2E50];
	_ =	sdelay $0x1  }
0x19b: {  	v8 =	vmul.f32 v9, v8;
	v9 =	vmul.f32 v11, v10  }
0x19c: {  	v10 =	vmul.f32 v13, v12;
	v11 =	vmul.f32 v16, v14  }
0x19d: {  	v8 =	vadd.f32 v9, v8;
	v7 =	vmul.f32 v7, v15  }
0x19e: {  	v9 =	vadd.f32 v11, v10;
	v10 =	vmul.f32 v17, v15  }
0x19f: {  	v7 =	vadd.f32 v7, v8  }
0x1a0: {  	v8 =	vadd.f32 v10, v9  }
0x1a1: {  	v9 =	vperm.xlane v7, v0  }
0x1a2: {  	v10 =	vperm.xlane v8, v0  }
0x1a3: {  	v7 =	vadd.f32 v7, v9  }
0x1a4: {  	v8 =	vadd.f32 v8, v10  }
0x1a5: {  	v9 =	vperm.xlane v7, v2  }
0x1a6: {  	v10 =	vperm.xlane v8, v2  }
0x1a7: {  	v7 =	vadd.f32 v7, v9  }
0x1a8: {  	v8 =	vadd.f32 v8, v10  }
0x1a9: {  	v9 =	vperm.xlane v7, v4  }
0x1aa: {  	v10 =	vperm.xlane v8, v4  }
0x1ab: {  	v7 =	vadd.f32 v7, v9  }
0x1ac: {  	v8 =	vadd.f32 v8, v10  }
0x1ad: {  	v9 =	vperm.xlane v7, v5  }
0x1ae: {  	v10 =	vperm.xlane v8, v5  }
0x1af: {  	v7 =	vadd.f32 v7, v9  }
0x1b0: {  	v8 =	vadd.f32 v8, v10  }
0x1b1: {  	v7 =	vmul.f32 $1.767766920e-01, v7  }
0x1b2: {  	v8 =	vmul.f32 $1.767766920e-01, v8  }
0x1b3: {  	v7 =	vmul.f32 $1.442695020e+00, v7  }
0x1b4: {  	v8 =	vmul.f32 $1.442695020e+00, v8  }
0x1b5: {  	(erf) = vpow2.f32 v7  }
0x1b6: {  	(erf) = vpow2.f32 v8;
	_ =	sdelay $0x2  }
0x1b7: {  	v8 =	vld [tilespmem:s28+$0x640]  }
0x1b8: {  	v9 =	vld [tilespmem:s28+$0x650]  }
0x1b9: {  	v10 =	vld [tilespmem:s28+$0x660]  }
0x1ba: {  	v11 =	vld [tilespmem:s28+$0x670];
	_ =	sdelay $0x1  }
0x1bb: {  	s29 =	sshra.s32 s30, $0x2;
	v12 =	vpop (erf)  }
0x1bc: {  	v7 =	vld [tilespmem:s29+$0x2E40];
	v13 =	vmul.f32 v8, v12;
	v14 =	vmul.f32 v9, v12;
	v16 =	vpop (erf)  }
0x1bd: {  	v17 =	vmul.f32 v3, v12;
	v8 =	vld [tilespmem:s29+$0x2E00];
	v18 =	vmul.f32 v6, v16  }
0x1be: {  	v9 =	vld [tilespmem:s29+$0x600];
	[tilespmem:s28+$0x5610] =	vst v13;
	v13 =	vmul.f32 v10, v16;
	v19 =	vmul.f32 v11, v16  }
.Ltmp6:
0x1bf: {  	v10 =	vld [tilespmem:s29+$0x2E10];
	v17 =	vadd.f32 v18, v17;
	[tilespmem:s28+$0x5620] =	vst v14;
	v18 =	vmul.f32 v12, v15;
	v15 =	vmul.f32 v16, v15;
	(pc) =	sbr.rel @p1 .LBB2_15-.Ltmp6, $4  }
0x1c0: {  	v11 =	vld [tilespmem:s29+$0x610];
	[tilespmem:s28+$0x5630] =	vst v13  }
0x1c1: {  	v12 =	vld [tilespmem:s29+$0x2E20];
	[tilespmem:s28+$0x5600] =	vst v17  }
0x1c2: {  	v13 =	vld [tilespmem:s29+$0x620];
	[tilespmem:s28+$0x5640] =	vst v19  }
0x1c3: {  	s30 =	sadd.s32 $0x200, s30;
	v14 =	vld [tilespmem:s29+$0x2E30];
	[tilespmem:s28+$0x5650] =	vst v18  }
0x1c4: {  	v16 =	vld [tilespmem:s29+$0x630];
	[tilespmem:s28+$0x5660] =	vst v15;
	s26 =	sadd.s32 $0x10, s26  }
0x1c5: {  	v15 =	vld [tilespmem:s26+$0x0];
	_ =	sdelay $0x1  }
0x1c6: {  	v17 =	vld [tilespmem:s29+$0x2E50]  }
0x1c7: {  	v8 =	vmul.f32 v9, v8;
	v50 =	vmul.f32 v11, v10  }
0x1c8: {  	v51 =	vmul.f32 v13, v12  }
0x1c9: {  	v8 =	vadd.f32 v50, v8;
	v52 =	vmul.f32 v16, v14;
	v7 =	vmul.f32 v7, v15;
	_ =	sdelay $0x1  }
0x1ca: {  	v54 =	vmul.f32 v17, v15;
	v53 =	vadd.f32 v52, v51;
	v7 =	vadd.f32 v7, v8;
	_ =	sdelay $0x1  }
0x1cb: {  	v8 =	vadd.f32 v54, v53;
	v55 =	vperm.xlane v7, v0;
	_ =	sdelay $0x1  }
0x1cc: {  	v10 =	vperm.xlane v8, v0;
	v7 =	vadd.f32 v7, v55;
	_ =	sdelay $0x1  }
0x1cd: {  	v8 =	vadd.f32 v8, v10;
	v9 =	vperm.xlane v7, v2;
	_ =	sdelay $0x1  }
0x1ce: {  	v10 =	vperm.xlane v8, v2;
	v7 =	vadd.f32 v7, v9;
	_ =	sdelay $0x1  }
0x1cf: {  	v8 =	vadd.f32 v8, v10;
	v9 =	vperm.xlane v7, v4;
	_ =	sdelay $0x1  }
0x1d0: {  	v10 =	vperm.xlane v8, v4;
	v7 =	vadd.f32 v7, v9;
	_ =	sdelay $0x1  }
0x1d1: {  	v8 =	vadd.f32 v8, v10;
	v9 =	vperm.xlane v7, v5;
	_ =	sdelay $0x1  }
0x1d2: {  	v10 =	vperm.xlane v8, v5;
	v7 =	vadd.f32 v7, v9;
	_ =	sdelay $0x1  }
0x1d3: {  	v8 =	vadd.f32 v8, v10;
	v7 =	vmul.f32 $1.767766920e-01, v7;
	_ =	sdelay $0x1  }
0x1d4: {  	v8 =	vmul.f32 $1.767766920e-01, v8;
	v7 =	vmul.f32 $1.442695020e+00, v7;
	_ =	sdelay $0x1  }
0x1d5: {  	v8 =	vmul.f32 $1.442695020e+00, v8;
	(erf) = vpow2.f32 v7;
	_ =	sdelay $0x1  }
0x1d6: {  	(erf) = vpow2.f32 v8;
	_ =	sdelay $0x2  }
0x1d7: {  	v7 =	vld [tilespmem:s29+$0x640]  }
0x1d8: {  	v8 =	vld [tilespmem:s29+$0x650];
	_ =	sdelay $0x1  }
0x1d9: {  	v56 =	vld [tilespmem:s29+$0x660]  }
0x1da: {  	v57 =	vld [tilespmem:s29+$0x670];
	v58 =	vpop (erf)  }
0x1db: {  	v7 =	vmul.f32 v7, v58  }
0x1dc: {  	v8 =	vmul.f32 v8, v58;
	v59 =	vpop (erf)  }
0x1dd: {  	v60 =	vmul.f32 v3, v58;
	v63 =	vmul.f32 v59, v15;
	[tilespmem:s29+$0x5610] =	vst v7  }
0x1de: {  	v61 =	vmul.f32 v6, v59;
	v7 =	vmul.f32 v56, v59;
	[tilespmem:s29+$0x5620] =	vst v8  }
0x1df: {  	v8 =	vmul.f32 v57, v59;
	[tilespmem:s29+$0x5660] =	vst v63  }
0x1e0: {  	v62 =	vadd.f32 v61, v60;
	[tilespmem:s29+$0x5630] =	vst v7  }
0x1e1: {  	s25 =	sadd.s32 $0x1, s25;
	v7 =	vmul.f32 v58, v15;
	[tilespmem:s29+$0x5640] =	vst v8  }
0x1e2: {  	p1 =	sne.s32 s25, $0x7D;
	[tilespmem:s29+$0x5600] =	vst v62  }
.Ltmp7:
0x1e3: {  	[tilespmem:s29+$0x5650] =	vst v7;
	(pc) =	sbr.rel @p1 .LBB2_14-.Ltmp7, $4  }
0x1e4: {  	[spmem:s8] =	stream.indirect.scatter.add.f32 [tilespmem:s19], [sflag:$0x3], $0x80, s13, s14, $0xb8;
	[tilespmem:$0x1CE80] =	vst v63  }
0x1e5: {  	_ =	swait.ge [sflag:s10], $0x2800  }
0x1e6: {  	[sflag:s10] =	ssyncset.done $0x0  }
0x1e7: {  	[sflag:s10] =	ssyncadd.s32 $0xFFFFD800  }
0x1e8: {  	[bflag:$0x0] =	sbarrier.arrive $0xFFFF  }
0x1e9: {  	[tilespmem:s19], [sflag:$0x3] =	stream.linear.gather [spmem:s15], $0x1800, $0x38;
	[tilespmem:$0x1CE80] =	vst v63  }
0x1ea: {  	_ =	swait.ge [sflag:s10], $0x1800  }
0x1eb: {  	[sflag:s10] =	ssyncset.done $0x0  }
0x1ec: {  	s22 =	sadd.s32 $0x0, s24;
	[sflag:s10] =	ssyncadd.s32 $0xFFFFE800  }
0x1ed: {  	[hbm4b:s22+s9] =	stream.linear.scatter [tilespmem:s19], [sflag:$0x3], $0x1800, $0x38;
	[tilespmem:$0x1CE80] =	vst v63  }
0x1ee: {  	_ =	swait.ge [sflag:s10], $0x1800  }
0x1ef: {  	s25 =	smov.u32 s15;
	s22 =	simm.s32 $0x300;
	[sflag:s10] =	ssyncset.done $0x0  }
.LBB2_18:
0x1f0: {  	p1 =	sne.s32 s22, $0x2400;
	[sflag:s10] =	ssyncadd.s32 $0xFFFFE800;
	s25 =	sadd.s32 $0x1800, s25  }
0x1f1: {  	[tilespmem:s19], [sflag:$0x3] =	stream.linear.gather [spmem:s25], $0x1800, $0x38;
	[tilespmem:$0x1CE80] =	vst v63  }
0x1f2: {  	s26 =	smov.u32 s22;
	s22 =	sadd.s32 $0x300, s22;
	_ =	swait.ge [sflag:s10], $0x1800  }
.Ltmp8:
0x1f3: {  	[sflag:s10] =	ssyncset.done $0x0;
	(pc) =	sbr.rel @p1 .LBB2_18-.Ltmp8, $4  }
0x1f4: {  	s26 =	sadd.s32 s26, s24;
	[sflag:s10] =	ssyncadd.s32 $0xFFFFE800  }
0x1f5: {  	[hbm4b:s26+s9] =	stream.linear.scatter [tilespmem:s19], [sflag:$0x3], $0x1800, $0x38;
	[tilespmem:$0x1CE80] =	vst v63  }
0x1f6: {  	_ =	swait.ge [sflag:s10], $0x1800  }
0x1f7: {  	[sflag:s10] =	ssyncset.done $0x0  }
0x1f8: {  	[sflag:s10] =	ssyncadd.s32 $0xFFFFE800;
	s22 =	simm.s32 @!p0 $0x5600;
	s25 =	simm.s32 @!p0 $0x3  }
0x1f9: {  	[tilespmem:s22], [sflag:$0x3] =	stream.linear.gather @!p0 [spmem:s12], $0x800, $0x38;
	[tilespmem:$0x1CE80] =	vst v63  }
0x1fa: {  	_ =	swait.ge @!p0 [sflag:s25], $0x800  }
0x1fb: {  	[sflag:s25] =	ssyncset.done @!p0 $0x0  }
0x1fc: {  	s26 =	simm.s32 @!p0 $0x0;
	s28 =	rddreg [dreg:$0xb];
	[sflag:s25] =	ssyncadd.s32 @!p0 $0xFFFFF800  }
0x1fd: {  	[hbm4b:s28+s26] =	stream.linear.scatter @!p0 [tilespmem:s22], [sflag:$0x3], $0x800, $0x38;
	[tilespmem:$0x1CE80] =	vst v63  }
0x1fe: {  	_ =	swait.ge @!p0 [sflag:s25], $0x800  }
0x1ff: {  	s20 =	sadd.s32 $0x1, s20;
	s30 =	rddreg [dreg:$0x11]  }
0x200: {  	p1 =	sne.s32 s20, s30  }
.Ltmp9:
0x201: {  	_ = 	snop;
	(pc) =	sbr.rel @p1 .LBB2_1-.Ltmp9, $3  }
0x202: {  	[sflag:s25] =	ssyncset.done @!p0 $0x0  }
0x203: {  	[sflag:s25] =	ssyncadd.s32 @!p0 $0xFFFFF800  }
0x204: {  	[bflag:$0x0] =	sbarrier.arrive $0xFFFF;
	_ =	sdelay $0x1  }
0x205: {  	_ =	sfence.sel $0x180000  }
0x206: {  	[bflag:$0x0] =	sbarrier.arrive $0xFFFF  }
0x207: {  	_ =	strace $0x90000047  }
0x208: {  	s0 =	stileid.u32;
	[bflag:$0x2] =	sbarrier.arrive $0xFFFF  }
0x209: {  	p0 =	sne.s32 s0, $0x0;
	s0 =	rddreg [dreg:$0x9]  }
0x20a: {  	s0 =	sadd.s32 @!p0 $0x100000, s0  }
0x20b: {  	[sflag:s0] =	ssyncadd.tile.s32 @!p0 $0x1;
	_ =	shalt  }
.Lfunc_end2:
_tile_overlayer_lowered:
.L_overlay_start_2:
0x20c: {  	(tag) =	ssettag $0x2  }
0x20d: {  	s0 =	rddreg [dreg:$0x0];
	s2 =	stileid.u32  }
0x20e: {  	s1 =	rddreg [dreg:$0x1];
	p0 =	sne.s32 s2, $0x0  }
0x20f: {  	s3 =	rddreg [dreg:$0x2];
	[bflag:$0x3] =	sbarrier.arrive $0xFFFF;
	s2 =	simm.s32 @!p0 $0x1C03  }
0x210: {  	[timem:s3], [sflag:s2] =	dma.local @!p0 [hbm:s0], s1  }
0x211: {  	s0 =	simm.s32 @!p0 $0x3  }
0x212: {  	_ =	swait.ge @!p0 [sflag:s0], s1  }
0x213: {  	s1 =	ssub.s32 @!p0 $0x0, s1;
	[sflag:s0] =	ssyncset.done @!p0 $0x0  }
0x214: {  	[sflag:s0] =	ssyncadd.s32 @!p0 s1  }
0x215: {  	[bflag:$0x3] =	sbarrier.arrive $0xFFFF  }
0x216: {  	_ =	shalt  }

</sc_bundles>
